<compile_context>
chip_gen: v7x
topology: tpu7x:2x2x1
jax: 0.10.2.dev20260603
libtpu: 0.0.44.dev20260713+nightly
codegen_flags: <defaults>
</compile_context>

<pallas_src>
import functools

import jax
import jax.numpy as jnp
import numpy as np
from jax import lax
from jax.experimental import pallas as pl
from jax.experimental.pallas import tpu as pltpu
from jax.experimental.pallas import tpu_sc as plsc

ROWS = 128
COLS = 100000
K_CAND = 1020
N_TILES = 32
CHUNK = 128
N_CHUNKS = 32
PER_TILE = CHUNK * N_CHUNKS
N_WORK = N_TILES * PER_TILE
LP_PAD = N_WORK - ROWS * K_CAND

BLK = 8192
GRID = (COLS + BLK - 1) // BLK
HALF = ROWS // 2

_NEG_INF = np.float32(-np.inf)


def _gumbel_table() -> np.ndarray:
    flat = np.arange(ROWS * COLS, dtype=np.uint32)

    def rotl(x, d):
        return (x << np.uint32(d)) | (x >> np.uint32(32 - d))

    k0 = np.uint32(0)
    k1 = np.uint32(42)
    ks = (k0, k1, k0 ^ k1 ^ np.uint32(0x1BD11BDA))
    rot_a = (13, 15, 26, 6)
    rot_b = (17, 29, 16, 24)

    x0 = np.zeros_like(flat) + ks[0]
    x1 = flat + ks[1]
    for i, rots in enumerate((rot_a, rot_b, rot_a, rot_b, rot_a)):
        for r in rots:
            x0 = x0 + x1
            x1 = rotl(x1, r)
            x1 = x0 ^ x1
        x0 = x0 + ks[(i + 1) % 3]
        x1 = x1 + ks[(i + 2) % 3] + np.uint32(i + 1)
    bits = x0 ^ x1

    float_bits = (bits >> np.uint32(9)) | np.uint32(0x3F800000)
    floats = float_bits.view(np.float32) - np.float32(1.0)
    tiny = np.float32(np.finfo(np.float32).tiny)
    span = np.float32(1.0) - tiny
    u = np.maximum(tiny, floats * span + tiny)
    g = (-np.log(-np.log(u.astype(np.float64)))).astype(np.float32)
    return g.reshape(ROWS, COLS)


def _build_tables():
    g = _gumbel_table()
    part = np.argpartition(-g, K_CAND, axis=1)
    cand_cols = np.ascontiguousarray(part[:, :K_CAND]).astype(np.int32)
    excl_cols = part[:, K_CAND:]
    g_excl = np.max(np.take_along_axis(g, excl_cols, axis=1), axis=1)
    cand_g = np.take_along_axis(g, cand_cols, axis=1)
    rows = np.arange(ROWS, dtype=np.int64)[:, None]
    cand_flat = (rows * COLS + cand_cols).astype(np.int32).reshape(-1)
    return g, cand_cols, cand_g.astype(np.float32), \
        g_excl.astype(np.float32).reshape(ROWS, 1), cand_flat


(_G_TABLE, _CAND_COLS, _CAND_G, _G_EXCL, _CAND_FLAT) = _build_tables()
_G_TOP = np.ascontiguousarray(_G_TABLE[:HALF])
_G_BOT = np.ascontiguousarray(_G_TABLE[HALF:])



@functools.cache
def _sc_gather_fn():
    mesh = plsc.VectorSubcoreMesh(core_axis_name="c", subcore_axis_name="s")

    @functools.partial(
        pl.kernel,
        mesh=mesh,
        out_type=jax.ShapeDtypeStruct((N_TILES, N_CHUNKS, CHUNK), jnp.float32),
        scratch_types=[
            pltpu.VMEM((N_CHUNKS, CHUNK), jnp.int32),
            pltpu.VMEM((N_CHUNKS, CHUNK), jnp.float32),
            pltpu.SemaphoreType.DMA,
        ],
    )
    def _sc_gather(table_hbm, idx_hbm, out_hbm, idx_v, rows_v, sem):
        wid = lax.axis_index("s") * 2 + lax.axis_index("c")
        pltpu.sync_copy(idx_hbm.at[wid], idx_v)

        def chunk_group(grp, carry):
            for b in range(8):
                c = grp * 8 + b
                pltpu.async_copy(table_hbm.at[idx_v.at[c]], rows_v.at[c], sem)
            for b in range(8):
                c = grp * 8 + b
                pltpu.make_async_copy(table_hbm.at[idx_v.at[c]], rows_v.at[c],
                                      sem).wait()
            return carry

        lax.fori_loop(0, N_CHUNKS // 8, chunk_group, 0, unroll=False)
        pltpu.sync_copy(rows_v, out_hbm.at[wid])

    return _sc_gather



def _lse_kernel(x_ref, m_out, s_out, m_ref, s_ref):
    j = pl.program_id(0)

    @pl.when(j == 0)
    def _init():
        m_ref[...] = jnp.full((ROWS, 1), _NEG_INF, jnp.float32)
        s_ref[...] = jnp.zeros((ROWS, 1), jnp.float32)

    col = j * BLK + jax.lax.broadcasted_iota(jnp.int32, (ROWS, BLK), 1)
    x = jnp.where(col < COLS, x_ref[...], _NEG_INF)

    bm = jnp.max(x, axis=1, keepdims=True)
    m_old = m_ref[...]
    m_new = jnp.maximum(m_old, bm)
    bsum = jnp.sum(jnp.exp(x - m_new), axis=1, keepdims=True)
    s_ref[...] = s_ref[...] * jnp.exp(m_old - m_new) + bsum
    m_ref[...] = m_new

    @pl.when(j == GRID - 1)
    def _fin():
        m_out[...] = m_ref[...]
        s_out[...] = s_ref[...]


def _lse(inputs):
    return pl.pallas_call(
        _lse_kernel,
        grid=(GRID,),
        in_specs=[pl.BlockSpec((ROWS, BLK), lambda j: (0, j))],
        out_specs=[
            pl.BlockSpec((ROWS, 1), lambda j: (0, 0)),
            pl.BlockSpec((ROWS, 1), lambda j: (0, 0)),
        ],
        out_shape=[
            jax.ShapeDtypeStruct((ROWS, 1), jnp.float32),
            jax.ShapeDtypeStruct((ROWS, 1), jnp.float32),
        ],
        scratch_shapes=[
            pltpu.VMEM((ROWS, 1), jnp.float32),
            pltpu.VMEM((ROWS, 1), jnp.float32),
        ],
    )(inputs)



def _combine_kernel(xc_ref, gc_ref, cc_ref, gx_ref, xlp_ref, m_ref, s_ref,
                    act_ref, logpi_ref, fail_ref):
    score = xc_ref[...] + gc_ref[...]
    best = jnp.max(score, axis=1, keepdims=True)
    act_ref[...] = jnp.min(
        jnp.where(score == best, cc_ref[...], jnp.int32(2147483647)),
        axis=1, keepdims=True)
    m = m_ref[...]
    fail_ref[...] = ((m + gx_ref[...]) >= best).astype(jnp.int32)
    logpi_ref[...] = xlp_ref[...] - (m + jnp.log(s_ref[...]))


def _combine(x_cand, cand_g, cand_cols, g_excl, x_lp, m, s):
    spec1 = pl.BlockSpec((ROWS, 1), lambda: (0, 0))
    speck = pl.BlockSpec((ROWS, K_CAND), lambda: (0, 0))
    return pl.pallas_call(
        _combine_kernel,
        in_specs=[speck, speck, speck, spec1, spec1, spec1, spec1],
        out_specs=[spec1, spec1, spec1],
        out_shape=[
            jax.ShapeDtypeStruct((ROWS, 1), jnp.int32),
            jax.ShapeDtypeStruct((ROWS, 1), jnp.float32),
            jax.ShapeDtypeStruct((ROWS, 1), jnp.int32),
        ],
    )(x_cand, cand_g, cand_cols, g_excl, x_lp, m, s)



def _full_half(j, x_ref, g_ref, lp_ref, row0,
               m_ref, s_ref, bv_ref, bi_ref, sel_ref):
    rows = slice(row0, row0 + HALF)
    col = j * BLK + jax.lax.broadcasted_iota(jnp.int32, (HALF, BLK), 1)
    valid = col < COLS
    x = jnp.where(valid, x_ref[...], _NEG_INF)
    score = jnp.where(valid, x + g_ref[...], _NEG_INF)

    bscore = jnp.max(score, axis=1, keepdims=True)
    bidx = jnp.min(jnp.where(score == bscore, col, jnp.int32(2147483647)),
                   axis=1, keepdims=True)
    upd = bscore > bv_ref[rows, :]
    bv_ref[rows, :] = jnp.where(upd, bscore, bv_ref[rows, :])
    bi_ref[rows, :] = jnp.where(upd, bidx, bi_ref[rows, :])

    bm = jnp.max(x, axis=1, keepdims=True)
    m_old = m_ref[rows, :]
    m_new = jnp.maximum(m_old, bm)
    bsum = jnp.sum(jnp.exp(x - m_new), axis=1, keepdims=True)
    s_ref[rows, :] = s_ref[rows, :] * jnp.exp(m_old - m_new) + bsum
    m_ref[rows, :] = m_new

    sel_ref[rows, :] += jnp.sum(
        jnp.where(col == lp_ref[rows, :], x, jnp.float32(0.0)),
        axis=1, keepdims=True)


def _full_kernel(xt_ref, xb_ref, gt_ref, gb_ref, lp_ref,
                 act_ref, logpi_ref,
                 m_ref, s_ref, bv_ref, bi_ref, sel_ref):
    j = pl.program_id(0)

    @pl.when(j == 0)
    def _init():
        m_ref[...] = jnp.full((ROWS, 1), _NEG_INF, jnp.float32)
        s_ref[...] = jnp.zeros((ROWS, 1), jnp.float32)
        bv_ref[...] = jnp.full((ROWS, 1), _NEG_INF, jnp.float32)
        bi_ref[...] = jnp.zeros((ROWS, 1), jnp.int32)
        sel_ref[...] = jnp.zeros((ROWS, 1), jnp.float32)

    _full_half(j, xt_ref, gt_ref, lp_ref, 0,
               m_ref, s_ref, bv_ref, bi_ref, sel_ref)
    _full_half(j, xb_ref, gb_ref, lp_ref, HALF,
               m_ref, s_ref, bv_ref, bi_ref, sel_ref)

    @pl.when(j == GRID - 1)
    def _finalize():
        act_ref[...] = bi_ref[...]
        logpi_ref[...] = sel_ref[...] - (m_ref[...] + jnp.log(s_ref[...]))


def _full(inputs, lp2d):
    gt = jnp.asarray(_G_TOP)
    gb = jnp.asarray(_G_BOT)
    return pl.pallas_call(
        _full_kernel,
        grid=(GRID,),
        in_specs=[
            pl.BlockSpec((HALF, BLK), lambda j: (0, j)),
            pl.BlockSpec((HALF, BLK), lambda j: (1, j)),
            pl.BlockSpec((HALF, BLK), lambda j: (0, j)),
            pl.BlockSpec((HALF, BLK), lambda j: (0, j)),
            pl.BlockSpec((ROWS, 1), lambda j: (0, 0)),
        ],
        out_specs=[
            pl.BlockSpec((ROWS, 1), lambda j: (0, 0)),
            pl.BlockSpec((ROWS, 1), lambda j: (0, 0)),
        ],
        out_shape=[
            jax.ShapeDtypeStruct((ROWS, 1), jnp.int32),
            jax.ShapeDtypeStruct((ROWS, 1), jnp.float32),
        ],
        scratch_shapes=[
            pltpu.VMEM((ROWS, 1), jnp.float32),
            pltpu.VMEM((ROWS, 1), jnp.float32),
            pltpu.VMEM((ROWS, 1), jnp.float32),
            pltpu.VMEM((ROWS, 1), jnp.int32),
            pltpu.VMEM((ROWS, 1), jnp.float32),
        ],
    )(inputs, inputs, gt, gb, lp2d)




@jax.jit
def _policy(inputs, logprob):
    lp2d = logprob.reshape(ROWS, 1)

    lp_flat = (jnp.arange(ROWS, dtype=jnp.int32) * COLS + logprob)
    lp_pad = jnp.zeros((LP_PAD,), jnp.int32).at[:ROWS].set(lp_flat)
    worklist = jnp.concatenate([jnp.asarray(_CAND_FLAT), lp_pad]) \
        .reshape(N_TILES, N_CHUNKS, CHUNK)

    flat_x = inputs.reshape(ROWS * COLS)
    gathered = _sc_gather_fn()(flat_x, worklist).reshape(N_WORK)
    x_cand = gathered[:ROWS * K_CAND].reshape(ROWS, K_CAND)
    x_lp = gathered[ROWS * K_CAND:ROWS * K_CAND + ROWS].reshape(ROWS, 1)

    m, s = _lse(inputs)

    act_f, logpi_f, fail = _combine(
        x_cand, jnp.asarray(_CAND_G), jnp.asarray(_CAND_COLS),
        jnp.asarray(_G_EXCL), x_lp, m, s)

    action, log_pi = lax.cond(
        jnp.any(fail > 0),
        lambda: _full(inputs, lp2d),
        lambda: (act_f, logpi_f),
    )
    return action[:, 0], log_pi[:, 0]


def kernel(inputs, logprob):
    return _policy(inputs, logprob.astype(jnp.int32))

# --- scband reference (transcript-rebuilt; emitter-appended) ---
"""Pipeline reference for scband-categorical-policy-8667244003374 (READ-ONLY COPY).

The authoritative reference and input builder live on the scoring server;
editing this copy changes nothing except your own understanding.
"""

import jax, jax.numpy as jnp
import numpy as np


def setup_inputs(seed: int = 0) -> dict:
    key = jax.random.key(seed)
    k1, k2 = jax.random.split(key)
    inputs = jax.random.normal(k1, (128, 100000), dtype=jnp.float32)
    logprob = jax.random.randint(k2, (128,), 0, 100000, dtype=jnp.int32)
    return {"inputs": inputs, "logprob": logprob}


def reference(inputs, logprob):
    # torch.distributions.Categorical(logits=inputs): normalized logits = log_softmax(inputs)
    logz = jax.scipy.special.logsumexp(inputs, axis=1, keepdims=True)
    log_probs = inputs - logz
    # deterministic=False -> dist.sample(); Gumbel-max categorical sampling
    skey = jax.random.key(42)
    action = jax.random.categorical(skey, inputs, axis=1)
    # logprob is a tensor of actions (flag_value branch) -> dist.log_prob(logprob)
    log_pi = jnp.take_along_axis(log_probs, logprob[:, None].astype(jnp.int32), axis=1)[:, 0]
    return (action, log_pi)

if __name__ == "__main__":
    import jax
    _d = setup_inputs()
    print(jax.jit(kernel)(*tuple(_d.values())))

</pallas_src>

<mosaic_0001>
#map = affine_map<(d0, d1) -> (0)>
#map1 = affine_map<(d0, d1) -> (0, 0, 0)>
module attributes {stable_mosaic.version = 14 : i64} {
  func.func @_sc_gather(%arg0: i32, %arg1: i32, %arg2: memref<12800000xf32, #tpu.memory_space<hbm>>, %arg3: memref<32x32x128xi32, #tpu.memory_space<hbm>>, %arg4: memref<32x32x128xf32, #tpu.memory_space<hbm>>, %arg5: memref<32x128xi32, #tpu.memory_space<vmem>>, %arg6: memref<32x128xf32, #tpu.memory_space<vmem>>, %arg7: memref<!tpu.dma_semaphore, #tpu.memory_space<semaphore_mem>>) attributes {dimension_semantics = [#tpu.dimension_semantics<core_parallel>, #tpu.dimension_semantics<subcore_parallel>], iteration_bounds = array<i64: 2, 16>, scalar_prefetch = 0 : i64, scratch_operands = 3 : i64, tpu.core_type = #tpu.core_type<sc_vector_subcore>, window_params = [{transform_indices = #map}, {transform_indices = #map1}, {transform_indices = #map1}]} {
    %mul3A = arith.constant 2 : i32
    %mul3A_0 = arith.muli %arg1, %mul3A : i32
    %add3A = arith.addi %mul3A_0, %arg0 : i32
    "tpu.region"() ({
      %run_scoped3A = tpu.sem_alloc : memref<!tpu.dma_semaphore, #tpu.memory_space<semaphore_mem>>
      %dma_start3A = arith.constant 0 : i32
      %dma_start3A_6 = arith.constant 0 : i32
      %dma_start3A_7 = tpu.memref_slice %arg3[%add3A, %dma_start3A, %dma_start3A_6] : memref<32x32x128xi32, #tpu.memory_space<hbm>> -> memref<1x32x128xi32, #tpu.memory_space<hbm>>
      %dma_start3A_8 = tpu.memref_squeeze %dma_start3A_7 : memref<1x32x128xi32, #tpu.memory_space<hbm>> -> memref<32x128xi32, #tpu.memory_space<hbm>>
      %dma_start3A_9 = arith.constant 0 : i32
      %dma_start3A_10 = arith.constant 0 : i32
      %dma_start3A_11 = tpu.memref_slice %arg3[%add3A, %dma_start3A_9, %dma_start3A_10] : memref<32x32x128xi32, #tpu.memory_space<hbm>> -> memref<1x32x128xi32, #tpu.memory_space<hbm>>
      %dma_start3A_12 = tpu.memref_squeeze %dma_start3A_11 : memref<1x32x128xi32, #tpu.memory_space<hbm>> -> memref<32x128xi32, #tpu.memory_space<hbm>>
      tpu.enqueue_dma source(%dma_start3A_12 : memref<32x128xi32, #tpu.memory_space<hbm>>) target(%arg5 : memref<32x128xi32, #tpu.memory_space<vmem>>) target_semaphore(%run_scoped3A : memref<!tpu.dma_semaphore, #tpu.memory_space<semaphore_mem>>)
      %dma_wait3A = arith.constant 0 : i32
      %dma_wait3A_13 = arith.constant 0 : i32
      %dma_wait3A_14 = tpu.memref_slice %arg3[%add3A, %dma_wait3A, %dma_wait3A_13] : memref<32x32x128xi32, #tpu.memory_space<hbm>> -> memref<1x32x128xi32, #tpu.memory_space<hbm>>
      %dma_wait3A_15 = tpu.memref_squeeze %dma_wait3A_14 : memref<1x32x128xi32, #tpu.memory_space<hbm>> -> memref<32x128xi32, #tpu.memory_space<hbm>>
      %dma_wait3A_16 = arith.constant 0 : i32
      %dma_wait3A_17 = arith.constant 0 : i32
      %dma_wait3A_18 = tpu.memref_slice %arg3[%add3A, %dma_wait3A_16, %dma_wait3A_17] : memref<32x32x128xi32, #tpu.memory_space<hbm>> -> memref<1x32x128xi32, #tpu.memory_space<hbm>>
      %dma_wait3A_19 = tpu.memref_squeeze %dma_wait3A_18 : memref<1x32x128xi32, #tpu.memory_space<hbm>> -> memref<32x128xi32, #tpu.memory_space<hbm>>
      tpu.wait_dma2 semaphore(%run_scoped3A : memref<!tpu.dma_semaphore, #tpu.memory_space<semaphore_mem>>) src(%dma_wait3A_19 : memref<32x128xi32, #tpu.memory_space<hbm>>) dst(%arg5 : memref<32x128xi32, #tpu.memory_space<vmem>>)
      tpu.yield
    }) : () -> ()
    %scan3A = arith.constant 0 : i32
    %scan3A_1 = arith.constant 0 : i32
    %scan3A_2 = arith.constant 4 : i32
    %scan3A_3 = arith.addi %scan3A_1, %scan3A_2 : i32
    %scan3A_4 = arith.constant 1 : i32
    scf.for %scan3A_6 = %scan3A_1 to %scan3A_3 step %scan3A_4  : i32 {
      %mul3A_7 = arith.constant 8 : i32
      %mul3A_8 = arith.muli %scan3A_6, %mul3A_7 : i32
      %add3A_9 = arith.constant 0 : i32
      %add3A_10 = arith.addi %mul3A_8, %add3A_9 : i32
      %dma_start3A = arith.constant 0 : i32
      %dma_start3A_11 = tpu.memref_slice %arg6[%add3A_10, %dma_start3A] : memref<32x128xf32, #tpu.memory_space<vmem>> -> memref<1x128xf32, #tpu.memory_space<vmem>>
      %dma_start3A_12 = tpu.memref_squeeze %dma_start3A_11 : memref<1x128xf32, #tpu.memory_space<vmem>> -> memref<128xf32, #tpu.memory_space<vmem>>
      %dma_start3A_13 = arith.constant 0 : i32
      %dma_start3A_14 = tpu.memref_slice %arg5[%add3A_10, %dma_start3A_13] : memref<32x128xi32, #tpu.memory_space<vmem>> -> memref<1x128xi32, #tpu.memory_space<vmem>>
      %dma_start3A_15 = tpu.memref_squeeze %dma_start3A_14 : memref<1x128xi32, #tpu.memory_space<vmem>> -> memref<128xi32, #tpu.memory_space<vmem>>
      %dma_start3A_16 = arith.constant 0 : i32
      %dma_start3A_17 = tpu.memref_slice %arg2[%dma_start3A_16] : memref<12800000xf32, #tpu.memory_space<hbm>> -> memref<12800000xf32, #tpu.memory_space<hbm>>
      tpu.enqueue_indirect_dma source(%dma_start3A_17 : memref<12800000xf32, #tpu.memory_space<hbm>>) target(%dma_start3A_12 : memref<128xf32, #tpu.memory_space<vmem>>) offsets(%dma_start3A_15 : memref<128xi32, #tpu.memory_space<vmem>>) semaphore(%arg7 : memref<!tpu.dma_semaphore, #tpu.memory_space<semaphore_mem>>)
      %mul3A_18 = arith.constant 8 : i32
      %mul3A_19 = arith.muli %scan3A_6, %mul3A_18 : i32
      %add3A_20 = arith.constant 1 : i32
      %add3A_21 = arith.addi %mul3A_19, %add3A_20 : i32
      %dma_start3A_22 = arith.constant 0 : i32
      %dma_start3A_23 = tpu.memref_slice %arg6[%add3A_21, %dma_start3A_22] : memref<32x128xf32, #tpu.memory_space<vmem>> -> memref<1x128xf32, #tpu.memory_space<vmem>>
      %dma_start3A_24 = tpu.memref_squeeze %dma_start3A_23 : memref<1x128xf32, #tpu.memory_space<vmem>> -> memref<128xf32, #tpu.memory_space<vmem>>
      %dma_start3A_25 = arith.constant 0 : i32
      %dma_start3A_26 = tpu.memref_slice %arg5[%add3A_21, %dma_start3A_25] : memref<32x128xi32, #tpu.memory_space<vmem>> -> memref<1x128xi32, #tpu.memory_space<vmem>>
      %dma_start3A_27 = tpu.memref_squeeze %dma_start3A_26 : memref<1x128xi32, #tpu.memory_space<vmem>> -> memref<128xi32, #tpu.memory_space<vmem>>
      %dma_start3A_28 = arith.constant 0 : i32
      %dma_start3A_29 = tpu.memref_slice %arg2[%dma_start3A_28] : memref<12800000xf32, #tpu.memory_space<hbm>> -> memref<12800000xf32, #tpu.memory_space<hbm>>
      tpu.enqueue_indirect_dma source(%dma_start3A_29 : memref<12800000xf32, #tpu.memory_space<hbm>>) target(%dma_start3A_24 : memref<128xf32, #tpu.memory_space<vmem>>) offsets(%dma_start3A_27 : memref<128xi32, #tpu.memory_space<vmem>>) semaphore(%arg7 : memref<!tpu.dma_semaphore, #tpu.memory_space<semaphore_mem>>)
      %mul3A_30 = arith.constant 8 : i32
      %mul3A_31 = arith.muli %scan3A_6, %mul3A_30 : i32
      %add3A_32 = arith.constant 2 : i32
      %add3A_33 = arith.addi %mul3A_31, %add3A_32 : i32
      %dma_start3A_34 = arith.constant 0 : i32
      %dma_start3A_35 = tpu.memref_slice %arg6[%add3A_33, %dma_start3A_34] : memref<32x128xf32, #tpu.memory_space<vmem>> -> memref<1x128xf32, #tpu.memory_space<vmem>>
      %dma_start3A_36 = tpu.memref_squeeze %dma_start3A_35 : memref<1x128xf32, #tpu.memory_space<vmem>> -> memref<128xf32, #tpu.memory_space<vmem>>
      %dma_start3A_37 = arith.constant 0 : i32
      %dma_start3A_38 = tpu.memref_slice %arg5[%add3A_33, %dma_start3A_37] : memref<32x128xi32, #tpu.memory_space<vmem>> -> memref<1x128xi32, #tpu.memory_space<vmem>>
      %dma_start3A_39 = tpu.memref_squeeze %dma_start3A_38 : memref<1x128xi32, #tpu.memory_space<vmem>> -> memref<128xi32, #tpu.memory_space<vmem>>
      %dma_start3A_40 = arith.constant 0 : i32
      %dma_start3A_41 = tpu.memref_slice %arg2[%dma_start3A_40] : memref<12800000xf32, #tpu.memory_space<hbm>> -> memref<12800000xf32, #tpu.memory_space<hbm>>
      tpu.enqueue_indirect_dma source(%dma_start3A_41 : memref<12800000xf32, #tpu.memory_space<hbm>>) target(%dma_start3A_36 : memref<128xf32, #tpu.memory_space<vmem>>) offsets(%dma_start3A_39 : memref<128xi32, #tpu.memory_space<vmem>>) semaphore(%arg7 : memref<!tpu.dma_semaphore, #tpu.memory_space<semaphore_mem>>)
      %mul3A_42 = arith.constant 8 : i32
      %mul3A_43 = arith.muli %scan3A_6, %mul3A_42 : i32
      %add3A_44 = arith.constant 3 : i32
      %add3A_45 = arith.addi %mul3A_43, %add3A_44 : i32
      %dma_start3A_46 = arith.constant 0 : i32
      %dma_start3A_47 = tpu.memref_slice %arg6[%add3A_45, %dma_start3A_46] : memref<32x128xf32, #tpu.memory_space<vmem>> -> memref<1x128xf32, #tpu.memory_space<vmem>>
      %dma_start3A_48 = tpu.memref_squeeze %dma_start3A_47 : memref<1x128xf32, #tpu.memory_space<vmem>> -> memref<128xf32, #tpu.memory_space<vmem>>
      %dma_start3A_49 = arith.constant 0 : i32
      %dma_start3A_50 = tpu.memref_slice %arg5[%add3A_45, %dma_start3A_49] : memref<32x128xi32, #tpu.memory_space<vmem>> -> memref<1x128xi32, #tpu.memory_space<vmem>>
      %dma_start3A_51 = tpu.memref_squeeze %dma_start3A_50 : memref<1x128xi32, #tpu.memory_space<vmem>> -> memref<128xi32, #tpu.memory_space<vmem>>
      %dma_start3A_52 = arith.constant 0 : i32
      %dma_start3A_53 = tpu.memref_slice %arg2[%dma_start3A_52] : memref<12800000xf32, #tpu.memory_space<hbm>> -> memref<12800000xf32, #tpu.memory_space<hbm>>
      tpu.enqueue_indirect_dma source(%dma_start3A_53 : memref<12800000xf32, #tpu.memory_space<hbm>>) target(%dma_start3A_48 : memref<128xf32, #tpu.memory_space<vmem>>) offsets(%dma_start3A_51 : memref<128xi32, #tpu.memory_space<vmem>>) semaphore(%arg7 : memref<!tpu.dma_semaphore, #tpu.memory_space<semaphore_mem>>)
      %mul3A_54 = arith.constant 8 : i32
      %mul3A_55 = arith.muli %scan3A_6, %mul3A_54 : i32
      %add3A_56 = arith.constant 4 : i32
      %add3A_57 = arith.addi %mul3A_55, %add3A_56 : i32
      %dma_start3A_58 = arith.constant 0 : i32
      %dma_start3A_59 = tpu.memref_slice %arg6[%add3A_57, %dma_start3A_58] : memref<32x128xf32, #tpu.memory_space<vmem>> -> memref<1x128xf32, #tpu.memory_space<vmem>>
      %dma_start3A_60 = tpu.memref_squeeze %dma_start3A_59 : memref<1x128xf32, #tpu.memory_space<vmem>> -> memref<128xf32, #tpu.memory_space<vmem>>
      %dma_start3A_61 = arith.constant 0 : i32
      %dma_start3A_62 = tpu.memref_slice %arg5[%add3A_57, %dma_start3A_61] : memref<32x128xi32, #tpu.memory_space<vmem>> -> memref<1x128xi32, #tpu.memory_space<vmem>>
      %dma_start3A_63 = tpu.memref_squeeze %dma_start3A_62 : memref<1x128xi32, #tpu.memory_space<vmem>> -> memref<128xi32, #tpu.memory_space<vmem>>
      %dma_start3A_64 = arith.constant 0 : i32
      %dma_start3A_65 = tpu.memref_slice %arg2[%dma_start3A_64] : memref<12800000xf32, #tpu.memory_space<hbm>> -> memref<12800000xf32, #tpu.memory_space<hbm>>
      tpu.enqueue_indirect_dma source(%dma_start3A_65 : memref<12800000xf32, #tpu.memory_space<hbm>>) target(%dma_start3A_60 : memref<128xf32, #tpu.memory_space<vmem>>) offsets(%dma_start3A_63 : memref<128xi32, #tpu.memory_space<vmem>>) semaphore(%arg7 : memref<!tpu.dma_semaphore, #tpu.memory_space<semaphore_mem>>)
      %mul3A_66 = arith.constant 8 : i32
      %mul3A_67 = arith.muli %scan3A_6, %mul3A_66 : i32
      %add3A_68 = arith.constant 5 : i32
      %add3A_69 = arith.addi %mul3A_67, %add3A_68 : i32
      %dma_start3A_70 = arith.constant 0 : i32
      %dma_start3A_71 = tpu.memref_slice %arg6[%add3A_69, %dma_start3A_70] : memref<32x128xf32, #tpu.memory_space<vmem>> -> memref<1x128xf32, #tpu.memory_space<vmem>>
      %dma_start3A_72 = tpu.memref_squeeze %dma_start3A_71 : memref<1x128xf32, #tpu.memory_space<vmem>> -> memref<128xf32, #tpu.memory_space<vmem>>
      %dma_start3A_73 = arith.constant 0 : i32
      %dma_start3A_74 = tpu.memref_slice %arg5[%add3A_69, %dma_start3A_73] : memref<32x128xi32, #tpu.memory_space<vmem>> -> memref<1x128xi32, #tpu.memory_space<vmem>>
      %dma_start3A_75 = tpu.memref_squeeze %dma_start3A_74 : memref<1x128xi32, #tpu.memory_space<vmem>> -> memref<128xi32, #tpu.memory_space<vmem>>
      %dma_start3A_76 = arith.constant 0 : i32
      %dma_start3A_77 = tpu.memref_slice %arg2[%dma_start3A_76] : memref<12800000xf32, #tpu.memory_space<hbm>> -> memref<12800000xf32, #tpu.memory_space<hbm>>
      tpu.enqueue_indirect_dma source(%dma_start3A_77 : memref<12800000xf32, #tpu.memory_space<hbm>>) target(%dma_start3A_72 : memref<128xf32, #tpu.memory_space<vmem>>) offsets(%dma_start3A_75 : memref<128xi32, #tpu.memory_space<vmem>>) semaphore(%arg7 : memref<!tpu.dma_semaphore, #tpu.memory_space<semaphore_mem>>)
      %mul3A_78 = arith.constant 8 : i32
      %mul3A_79 = arith.muli %scan3A_6, %mul3A_78 : i32
      %add3A_80 = arith.constant 6 : i32
      %add3A_81 = arith.addi %mul3A_79, %add3A_80 : i32
      %dma_start3A_82 = arith.constant 0 : i32
      %dma_start3A_83 = tpu.memref_slice %arg6[%add3A_81, %dma_start3A_82] : memref<32x128xf32, #tpu.memory_space<vmem>> -> memref<1x128xf32, #tpu.memory_space<vmem>>
      %dma_start3A_84 = tpu.memref_squeeze %dma_start3A_83 : memref<1x128xf32, #tpu.memory_space<vmem>> -> memref<128xf32, #tpu.memory_space<vmem>>
      %dma_start3A_85 = arith.constant 0 : i32
      %dma_start3A_86 = tpu.memref_slice %arg5[%add3A_81, %dma_start3A_85] : memref<32x128xi32, #tpu.memory_space<vmem>> -> memref<1x128xi32, #tpu.memory_space<vmem>>
      %dma_start3A_87 = tpu.memref_squeeze %dma_start3A_86 : memref<1x128xi32, #tpu.memory_space<vmem>> -> memref<128xi32, #tpu.memory_space<vmem>>
      %dma_start3A_88 = arith.constant 0 : i32
      %dma_start3A_89 = tpu.memref_slice %arg2[%dma_start3A_88] : memref<12800000xf32, #tpu.memory_space<hbm>> -> memref<12800000xf32, #tpu.memory_space<hbm>>
      tpu.enqueue_indirect_dma source(%dma_start3A_89 : memref<12800000xf32, #tpu.memory_space<hbm>>) target(%dma_start3A_84 : memref<128xf32, #tpu.memory_space<vmem>>) offsets(%dma_start3A_87 : memref<128xi32, #tpu.memory_space<vmem>>) semaphore(%arg7 : memref<!tpu.dma_semaphore, #tpu.memory_space<semaphore_mem>>)
      %mul3A_90 = arith.constant 8 : i32
      %mul3A_91 = arith.muli %scan3A_6, %mul3A_90 : i32
      %add3A_92 = arith.constant 7 : i32
      %add3A_93 = arith.addi %mul3A_91, %add3A_92 : i32
      %dma_start3A_94 = arith.constant 0 : i32
      %dma_start3A_95 = tpu.memref_slice %arg6[%add3A_93, %dma_start3A_94] : memref<32x128xf32, #tpu.memory_space<vmem>> -> memref<1x128xf32, #tpu.memory_space<vmem>>
      %dma_start3A_96 = tpu.memref_squeeze %dma_start3A_95 : memref<1x128xf32, #tpu.memory_space<vmem>> -> memref<128xf32, #tpu.memory_space<vmem>>
      %dma_start3A_97 = arith.constant 0 : i32
      %dma_start3A_98 = tpu.memref_slice %arg5[%add3A_93, %dma_start3A_97] : memref<32x128xi32, #tpu.memory_space<vmem>> -> memref<1x128xi32, #tpu.memory_space<vmem>>
      %dma_start3A_99 = tpu.memref_squeeze %dma_start3A_98 : memref<1x128xi32, #tpu.memory_space<vmem>> -> memref<128xi32, #tpu.memory_space<vmem>>
      %dma_start3A_100 = arith.constant 0 : i32
      %dma_start3A_101 = tpu.memref_slice %arg2[%dma_start3A_100] : memref<12800000xf32, #tpu.memory_space<hbm>> -> memref<12800000xf32, #tpu.memory_space<hbm>>
      tpu.enqueue_indirect_dma source(%dma_start3A_101 : memref<12800000xf32, #tpu.memory_space<hbm>>) target(%dma_start3A_96 : memref<128xf32, #tpu.memory_space<vmem>>) offsets(%dma_start3A_99 : memref<128xi32, #tpu.memory_space<vmem>>) semaphore(%arg7 : memref<!tpu.dma_semaphore, #tpu.memory_space<semaphore_mem>>)
      %mul3A_102 = arith.constant 8 : i32
      %mul3A_103 = arith.muli %scan3A_6, %mul3A_102 : i32
      %add3A_104 = arith.constant 0 : i32
      %add3A_105 = arith.addi %mul3A_103, %add3A_104 : i32
      %dma_wait3A = arith.constant 0 : i32
      %dma_wait3A_106 = tpu.memref_slice %arg6[%add3A_105, %dma_wait3A] : memref<32x128xf32, #tpu.memory_space<vmem>> -> memref<1x128xf32, #tpu.memory_space<vmem>>
      %dma_wait3A_107 = tpu.memref_squeeze %dma_wait3A_106 : memref<1x128xf32, #tpu.memory_space<vmem>> -> memref<128xf32, #tpu.memory_space<vmem>>
      %dma_wait3A_108 = arith.constant 0 : i32
      %dma_wait3A_109 = tpu.memref_slice %arg5[%add3A_105, %dma_wait3A_108] : memref<32x128xi32, #tpu.memory_space<vmem>> -> memref<1x128xi32, #tpu.memory_space<vmem>>
      %dma_wait3A_110 = tpu.memref_squeeze %dma_wait3A_109 : memref<1x128xi32, #tpu.memory_space<vmem>> -> memref<128xi32, #tpu.memory_space<vmem>>
      %dma_wait3A_111 = arith.constant 0 : i32
      %dma_wait3A_112 = tpu.memref_slice %arg2[%dma_wait3A_111] : memref<12800000xf32, #tpu.memory_space<hbm>> -> memref<12800000xf32, #tpu.memory_space<hbm>>
      tpu.wait_indirect_dma semaphore(%arg7 : memref<!tpu.dma_semaphore, #tpu.memory_space<semaphore_mem>>) src(%dma_wait3A_112 : memref<12800000xf32, #tpu.memory_space<hbm>>) dst(%dma_wait3A_107 : memref<128xf32, #tpu.memory_space<vmem>>)
      %mul3A_113 = arith.constant 8 : i32
      %mul3A_114 = arith.muli %scan3A_6, %mul3A_113 : i32
      %add3A_115 = arith.constant 1 : i32
      %add3A_116 = arith.addi %mul3A_114, %add3A_115 : i32
      %dma_wait3A_117 = arith.constant 0 : i32
      %dma_wait3A_118 = tpu.memref_slice %arg6[%add3A_116, %dma_wait3A_117] : memref<32x128xf32, #tpu.memory_space<vmem>> -> memref<1x128xf32, #tpu.memory_space<vmem>>
      %dma_wait3A_119 = tpu.memref_squeeze %dma_wait3A_118 : memref<1x128xf32, #tpu.memory_space<vmem>> -> memref<128xf32, #tpu.memory_space<vmem>>
      %dma_wait3A_120 = arith.constant 0 : i32
      %dma_wait3A_121 = tpu.memref_slice %arg5[%add3A_116, %dma_wait3A_120] : memref<32x128xi32, #tpu.memory_space<vmem>> -> memref<1x128xi32, #tpu.memory_space<vmem>>
      %dma_wait3A_122 = tpu.memref_squeeze %dma_wait3A_121 : memref<1x128xi32, #tpu.memory_space<vmem>> -> memref<128xi32, #tpu.memory_space<vmem>>
      %dma_wait3A_123 = arith.constant 0 : i32
      %dma_wait3A_124 = tpu.memref_slice %arg2[%dma_wait3A_123] : memref<12800000xf32, #tpu.memory_space<hbm>> -> memref<12800000xf32, #tpu.memory_space<hbm>>
      tpu.wait_indirect_dma semaphore(%arg7 : memref<!tpu.dma_semaphore, #tpu.memory_space<semaphore_mem>>) src(%dma_wait3A_124 : memref<12800000xf32, #tpu.memory_space<hbm>>) dst(%dma_wait3A_119 : memref<128xf32, #tpu.memory_space<vmem>>)
      %mul3A_125 = arith.constant 8 : i32
      %mul3A_126 = arith.muli %scan3A_6, %mul3A_125 : i32
      %add3A_127 = arith.constant 2 : i32
      %add3A_128 = arith.addi %mul3A_126, %add3A_127 : i32
      %dma_wait3A_129 = arith.constant 0 : i32
      %dma_wait3A_130 = tpu.memref_slice %arg6[%add3A_128, %dma_wait3A_129] : memref<32x128xf32, #tpu.memory_space<vmem>> -> memref<1x128xf32, #tpu.memory_space<vmem>>
      %dma_wait3A_131 = tpu.memref_squeeze %dma_wait3A_130 : memref<1x128xf32, #tpu.memory_space<vmem>> -> memref<128xf32, #tpu.memory_space<vmem>>
      %dma_wait3A_132 = arith.constant 0 : i32
      %dma_wait3A_133 = tpu.memref_slice %arg5[%add3A_128, %dma_wait3A_132] : memref<32x128xi32, #tpu.memory_space<vmem>> -> memref<1x128xi32, #tpu.memory_space<vmem>>
      %dma_wait3A_134 = tpu.memref_squeeze %dma_wait3A_133 : memref<1x128xi32, #tpu.memory_space<vmem>> -> memref<128xi32, #tpu.memory_space<vmem>>
      %dma_wait3A_135 = arith.constant 0 : i32
      %dma_wait3A_136 = tpu.memref_slice %arg2[%dma_wait3A_135] : memref<12800000xf32, #tpu.memory_space<hbm>> -> memref<12800000xf32, #tpu.memory_space<hbm>>
      tpu.wait_indirect_dma semaphore(%arg7 : memref<!tpu.dma_semaphore, #tpu.memory_space<semaphore_mem>>) src(%dma_wait3A_136 : memref<12800000xf32, #tpu.memory_space<hbm>>) dst(%dma_wait3A_131 : memref<128xf32, #tpu.memory_space<vmem>>)
      %mul3A_137 = arith.constant 8 : i32
      %mul3A_138 = arith.muli %scan3A_6, %mul3A_137 : i32
      %add3A_139 = arith.constant 3 : i32
      %add3A_140 = arith.addi %mul3A_138, %add3A_139 : i32
      %dma_wait3A_141 = arith.constant 0 : i32
      %dma_wait3A_142 = tpu.memref_slice %arg6[%add3A_140, %dma_wait3A_141] : memref<32x128xf32, #tpu.memory_space<vmem>> -> memref<1x128xf32, #tpu.memory_space<vmem>>
      %dma_wait3A_143 = tpu.memref_squeeze %dma_wait3A_142 : memref<1x128xf32, #tpu.memory_space<vmem>> -> memref<128xf32, #tpu.memory_space<vmem>>
      %dma_wait3A_144 = arith.constant 0 : i32
      %dma_wait3A_145 = tpu.memref_slice %arg5[%add3A_140, %dma_wait3A_144] : memref<32x128xi32, #tpu.memory_space<vmem>> -> memref<1x128xi32, #tpu.memory_space<vmem>>
      %dma_wait3A_146 = tpu.memref_squeeze %dma_wait3A_145 : memref<1x128xi32, #tpu.memory_space<vmem>> -> memref<128xi32, #tpu.memory_space<vmem>>
      %dma_wait3A_147 = arith.constant 0 : i32
      %dma_wait3A_148 = tpu.memref_slice %arg2[%dma_wait3A_147] : memref<12800000xf32, #tpu.memory_space<hbm>> -> memref<12800000xf32, #tpu.memory_space<hbm>>
      tpu.wait_indirect_dma semaphore(%arg7 : memref<!tpu.dma_semaphore, #tpu.memory_space<semaphore_mem>>) src(%dma_wait3A_148 : memref<12800000xf32, #tpu.memory_space<hbm>>) dst(%dma_wait3A_143 : memref<128xf32, #tpu.memory_space<vmem>>)
      %mul3A_149 = arith.constant 8 : i32
      %mul3A_150 = arith.muli %scan3A_6, %mul3A_149 : i32
      %add3A_151 = arith.constant 4 : i32
      %add3A_152 = arith.addi %mul3A_150, %add3A_151 : i32
      %dma_wait3A_153 = arith.constant 0 : i32
      %dma_wait3A_154 = tpu.memref_slice %arg6[%add3A_152, %dma_wait3A_153] : memref<32x128xf32, #tpu.memory_space<vmem>> -> memref<1x128xf32, #tpu.memory_space<vmem>>
      %dma_wait3A_155 = tpu.memref_squeeze %dma_wait3A_154 : memref<1x128xf32, #tpu.memory_space<vmem>> -> memref<128xf32, #tpu.memory_space<vmem>>
      %dma_wait3A_156 = arith.constant 0 : i32
      %dma_wait3A_157 = tpu.memref_slice %arg5[%add3A_152, %dma_wait3A_156] : memref<32x128xi32, #tpu.memory_space<vmem>> -> memref<1x128xi32, #tpu.memory_space<vmem>>
      %dma_wait3A_158 = tpu.memref_squeeze %dma_wait3A_157 : memref<1x128xi32, #tpu.memory_space<vmem>> -> memref<128xi32, #tpu.memory_space<vmem>>
      %dma_wait3A_159 = arith.constant 0 : i32
      %dma_wait3A_160 = tpu.memref_slice %arg2[%dma_wait3A_159] : memref<12800000xf32, #tpu.memory_space<hbm>> -> memref<12800000xf32, #tpu.memory_space<hbm>>
      tpu.wait_indirect_dma semaphore(%arg7 : memref<!tpu.dma_semaphore, #tpu.memory_space<semaphore_mem>>) src(%dma_wait3A_160 : memref<12800000xf32, #tpu.memory_space<hbm>>) dst(%dma_wait3A_155 : memref<128xf32, #tpu.memory_space<vmem>>)
      %mul3A_161 = arith.constant 8 : i32
      %mul3A_162 = arith.muli %scan3A_6, %mul3A_161 : i32
      %add3A_163 = arith.constant 5 : i32
      %add3A_164 = arith.addi %mul3A_162, %add3A_163 : i32
      %dma_wait3A_165 = arith.constant 0 : i32
      %dma_wait3A_166 = tpu.memref_slice %arg6[%add3A_164, %dma_wait3A_165] : memref<32x128xf32, #tpu.memory_space<vmem>> -> memref<1x128xf32, #tpu.memory_space<vmem>>
      %dma_wait3A_167 = tpu.memref_squeeze %dma_wait3A_166 : memref<1x128xf32, #tpu.memory_space<vmem>> -> memref<128xf32, #tpu.memory_space<vmem>>
      %dma_wait3A_168 = arith.constant 0 : i32
      %dma_wait3A_169 = tpu.memref_slice %arg5[%add3A_164, %dma_wait3A_168] : memref<32x128xi32, #tpu.memory_space<vmem>> -> memref<1x128xi32, #tpu.memory_space<vmem>>
      %dma_wait3A_170 = tpu.memref_squeeze %dma_wait3A_169 : memref<1x128xi32, #tpu.memory_space<vmem>> -> memref<128xi32, #tpu.memory_space<vmem>>
      %dma_wait3A_171 = arith.constant 0 : i32
      %dma_wait3A_172 = tpu.memref_slice %arg2[%dma_wait3A_171] : memref<12800000xf32, #tpu.memory_space<hbm>> -> memref<12800000xf32, #tpu.memory_space<hbm>>
      tpu.wait_indirect_dma semaphore(%arg7 : memref<!tpu.dma_semaphore, #tpu.memory_space<semaphore_mem>>) src(%dma_wait3A_172 : memref<12800000xf32, #tpu.memory_space<hbm>>) dst(%dma_wait3A_167 : memref<128xf32, #tpu.memory_space<vmem>>)
      %mul3A_173 = arith.constant 8 : i32
      %mul3A_174 = arith.muli %scan3A_6, %mul3A_173 : i32
      %add3A_175 = arith.constant 6 : i32
      %add3A_176 = arith.addi %mul3A_174, %add3A_175 : i32
      %dma_wait3A_177 = arith.constant 0 : i32
      %dma_wait3A_178 = tpu.memref_slice %arg6[%add3A_176, %dma_wait3A_177] : memref<32x128xf32, #tpu.memory_space<vmem>> -> memref<1x128xf32, #tpu.memory_space<vmem>>
      %dma_wait3A_179 = tpu.memref_squeeze %dma_wait3A_178 : memref<1x128xf32, #tpu.memory_space<vmem>> -> memref<128xf32, #tpu.memory_space<vmem>>
      %dma_wait3A_180 = arith.constant 0 : i32
      %dma_wait3A_181 = tpu.memref_slice %arg5[%add3A_176, %dma_wait3A_180] : memref<32x128xi32, #tpu.memory_space<vmem>> -> memref<1x128xi32, #tpu.memory_space<vmem>>
      %dma_wait3A_182 = tpu.memref_squeeze %dma_wait3A_181 : memref<1x128xi32, #tpu.memory_space<vmem>> -> memref<128xi32, #tpu.memory_space<vmem>>
      %dma_wait3A_183 = arith.constant 0 : i32
      %dma_wait3A_184 = tpu.memref_slice %arg2[%dma_wait3A_183] : memref<12800000xf32, #tpu.memory_space<hbm>> -> memref<12800000xf32, #tpu.memory_space<hbm>>
      tpu.wait_indirect_dma semaphore(%arg7 : memref<!tpu.dma_semaphore, #tpu.memory_space<semaphore_mem>>) src(%dma_wait3A_184 : memref<12800000xf32, #tpu.memory_space<hbm>>) dst(%dma_wait3A_179 : memref<128xf32, #tpu.memory_space<vmem>>)
      %mul3A_185 = arith.constant 8 : i32
      %mul3A_186 = arith.muli %scan3A_6, %mul3A_185 : i32
      %add3A_187 = arith.constant 7 : i32
      %add3A_188 = arith.addi %mul3A_186, %add3A_187 : i32
      %dma_wait3A_189 = arith.constant 0 : i32
      %dma_wait3A_190 = tpu.memref_slice %arg6[%add3A_188, %dma_wait3A_189] : memref<32x128xf32, #tpu.memory_space<vmem>> -> memref<1x128xf32, #tpu.memory_space<vmem>>
      %dma_wait3A_191 = tpu.memref_squeeze %dma_wait3A_190 : memref<1x128xf32, #tpu.memory_space<vmem>> -> memref<128xf32, #tpu.memory_space<vmem>>
      %dma_wait3A_192 = arith.constant 0 : i32
      %dma_wait3A_193 = tpu.memref_slice %arg5[%add3A_188, %dma_wait3A_192] : memref<32x128xi32, #tpu.memory_space<vmem>> -> memref<1x128xi32, #tpu.memory_space<vmem>>
      %dma_wait3A_194 = tpu.memref_squeeze %dma_wait3A_193 : memref<1x128xi32, #tpu.memory_space<vmem>> -> memref<128xi32, #tpu.memory_space<vmem>>
      %dma_wait3A_195 = arith.constant 0 : i32
      %dma_wait3A_196 = tpu.memref_slice %arg2[%dma_wait3A_195] : memref<12800000xf32, #tpu.memory_space<hbm>> -> memref<12800000xf32, #tpu.memory_space<hbm>>
      tpu.wait_indirect_dma semaphore(%arg7 : memref<!tpu.dma_semaphore, #tpu.memory_space<semaphore_mem>>) src(%dma_wait3A_196 : memref<12800000xf32, #tpu.memory_space<hbm>>) dst(%dma_wait3A_191 : memref<128xf32, #tpu.memory_space<vmem>>)
    }
    %scan3A_5 = arith.constant 4 : i32
    "tpu.region"() ({
      %run_scoped3A = tpu.sem_alloc : memref<!tpu.dma_semaphore, #tpu.memory_space<semaphore_mem>>
      %dma_start3A = arith.constant 0 : i32
      %dma_start3A_6 = arith.constant 0 : i32
      %dma_start3A_7 = tpu.memref_slice %arg4[%add3A, %dma_start3A, %dma_start3A_6] : memref<32x32x128xf32, #tpu.memory_space<hbm>> -> memref<1x32x128xf32, #tpu.memory_space<hbm>>
      %dma_start3A_8 = tpu.memref_squeeze %dma_start3A_7 : memref<1x32x128xf32, #tpu.memory_space<hbm>> -> memref<32x128xf32, #tpu.memory_space<hbm>>
      %dma_start3A_9 = arith.constant 0 : i32
      %dma_start3A_10 = arith.constant 0 : i32
      %dma_start3A_11 = tpu.memref_slice %arg4[%add3A, %dma_start3A_9, %dma_start3A_10] : memref<32x32x128xf32, #tpu.memory_space<hbm>> -> memref<1x32x128xf32, #tpu.memory_space<hbm>>
      %dma_start3A_12 = tpu.memref_squeeze %dma_start3A_11 : memref<1x32x128xf32, #tpu.memory_space<hbm>> -> memref<32x128xf32, #tpu.memory_space<hbm>>
      tpu.enqueue_dma source(%arg6 : memref<32x128xf32, #tpu.memory_space<vmem>>) target(%dma_start3A_12 : memref<32x128xf32, #tpu.memory_space<hbm>>) target_semaphore(%run_scoped3A : memref<!tpu.dma_semaphore, #tpu.memory_space<semaphore_mem>>)
      %dma_wait3A = arith.constant 0 : i32
      %dma_wait3A_13 = arith.constant 0 : i32
      %dma_wait3A_14 = tpu.memref_slice %arg4[%add3A, %dma_wait3A, %dma_wait3A_13] : memref<32x32x128xf32, #tpu.memory_space<hbm>> -> memref<1x32x128xf32, #tpu.memory_space<hbm>>
      %dma_wait3A_15 = tpu.memref_squeeze %dma_wait3A_14 : memref<1x32x128xf32, #tpu.memory_space<hbm>> -> memref<32x128xf32, #tpu.memory_space<hbm>>
      %dma_wait3A_16 = arith.constant 0 : i32
      %dma_wait3A_17 = arith.constant 0 : i32
      %dma_wait3A_18 = tpu.memref_slice %arg4[%add3A, %dma_wait3A_16, %dma_wait3A_17] : memref<32x32x128xf32, #tpu.memory_space<hbm>> -> memref<1x32x128xf32, #tpu.memory_space<hbm>>
      %dma_wait3A_19 = tpu.memref_squeeze %dma_wait3A_18 : memref<1x32x128xf32, #tpu.memory_space<hbm>> -> memref<32x128xf32, #tpu.memory_space<hbm>>
      tpu.wait_dma2 semaphore(%run_scoped3A : memref<!tpu.dma_semaphore, #tpu.memory_space<semaphore_mem>>) src(%arg6 : memref<32x128xf32, #tpu.memory_space<vmem>>) dst(%dma_wait3A_19 : memref<32x128xf32, #tpu.memory_space<hbm>>)
      tpu.yield
    }) : () -> ()
    return
  }
}

module attributes {stable_mosaic.version = 14 : i64} {
  func.func @_lse_kernel(%arg0: i32, %arg1: memref<128x8192xf32, #tpu.memory_space<vmem>>, %arg2: memref<128x1xf32, #tpu.memory_space<vmem>>, %arg3: memref<128x1xf32, #tpu.memory_space<vmem>>, %arg4: memref<128x1xf32, #tpu.memory_space<vmem>>, %arg5: memref<128x1xf32, #tpu.memory_space<vmem>>) attributes {dimension_semantics = [#tpu.dimension_semantics<arbitrary>], iteration_bounds = array<i64: 13>, scalar_prefetch = 0 : i64, scratch_operands = 2 : i64, tpu.core_type = #tpu.core_type<tc>, window_params = [{transform_indices = @transform_0, window_bounds = array<i64: 128, 8192>}, {pipeline_mode = #tpu.pipeline_mode<synchronous>, transform_indices = @transform_1, window_bounds = array<i64: 128, 1>}, {pipeline_mode = #tpu.pipeline_mode<synchronous>, transform_indices = @transform_2, window_bounds = array<i64: 128, 1>}]} {
    %eq3A = arith.constant 0 : i32
    %eq3A_0 = arith.cmpi eq, %arg0, %eq3A : i32
    %convert_element_type3A = arith.extui %eq3A_0 : i1 to i32
    %cond3A = arith.constant 0 : i32
    %cond3A_1 = arith.cmpi ne, %convert_element_type3A, %cond3A : i32
    scf.if %cond3A_1 {
      %broadcast_in_dim3A_33 = arith.constant 0xFF800000 : f32
      %broadcast_in_dim3A_34 = vector.broadcast %broadcast_in_dim3A_33 : f32 to vector<128x1xf32>
      %swap3A_35 = arith.constant 0 : index
      %swap3A_36 = arith.constant 0 : index
      %swap3A_37 = vector.load %arg4[%swap3A_35, %swap3A_36] : memref<128x1xf32, #tpu.memory_space<vmem>>, vector<128x1xf32>
      tpu.vector_store %arg4[%swap3A_35, %swap3A_36], %broadcast_in_dim3A_34 {strides = array<i32>} : memref<128x1xf32, #tpu.memory_space<vmem>>, vector<128x1xf32>,
      %broadcast_in_dim3A_38 = arith.constant 0.000000e+00 : f32
      %broadcast_in_dim3A_39 = vector.broadcast %broadcast_in_dim3A_38 : f32 to vector<128x1xf32>
      %swap3A_40 = arith.constant 0 : index
      %swap3A_41 = arith.constant 0 : index
      %swap3A_42 = vector.load %arg5[%swap3A_40, %swap3A_41] : memref<128x1xf32, #tpu.memory_space<vmem>>, vector<128x1xf32>
      tpu.vector_store %arg5[%swap3A_40, %swap3A_41], %broadcast_in_dim3A_39 {strides = array<i32>} : memref<128x1xf32, #tpu.memory_space<vmem>>, vector<128x1xf32>,
    } else {
    }
    %mul3A = arith.constant 8192 : i32
    %mul3A_2 = arith.muli %arg0, %mul3A : i32
    %iota3A = tpu.iota {dimensions = array<i32: 1>} : vector<128x8192xi32>
    %add3A = vector.broadcast %mul3A_2 : i32 to vector<128x8192xi32>
    %add3A_3 = arith.addi %add3A, %iota3A : vector<128x8192xi32>
    %lt3A = arith.constant 100000 : i32
    %lt3A_4 = vector.broadcast %lt3A : i32 to vector<128x8192xi32>
    %lt3A_5 = arith.cmpi slt, %add3A_3, %lt3A_4 : vector<128x8192xi32>
    %get3A = arith.constant 0 : index
    %get3A_6 = arith.constant 0 : index
    %get3A_7 = vector.load %arg1[%get3A, %get3A_6] : memref<128x8192xf32, #tpu.memory_space<vmem>>, vector<128x8192xf32>
    %jit3A = arith.constant 0xFF800000 : f32
    %broadcast_in_dim3A = vector.broadcast %jit3A : f32 to vector<128x8192xf32>
    %select_n3A = arith.select %lt3A_5, %get3A_7, %broadcast_in_dim3A : vector<128x8192xi1>, vector<128x8192xf32>
    %reduce_max3A = arith.constant dense<0xFF800000> : vector<128xf32>
    %reduce_max3A_8 = vector.multi_reduction <maximumf>, %select_n3A, %reduce_max3A [1] : vector<128x8192xf32> to vector<128xf32>
    %broadcast_in_dim3A_9 = vector.shape_cast %reduce_max3A_8 : vector<128xf32> to vector<128x1xf32>
    %get3A_10 = arith.constant 0 : index
    %get3A_11 = arith.constant 0 : index
    %get3A_12 = vector.load %arg4[%get3A_10, %get3A_11] : memref<128x1xf32, #tpu.memory_space<vmem>>, vector<128x1xf32>
    %max3A = arith.maximumf %get3A_12, %broadcast_in_dim3A_9 : vector<128x1xf32>
    %sub3A = vector.broadcast %max3A : vector<128x1xf32> to vector<128x8192xf32>
    %sub3A_13 = arith.subf %select_n3A, %sub3A : vector<128x8192xf32>
    %exp3A = math.exp %sub3A_13 : vector<128x8192xf32>
    %reduce_sum3A = arith.constant dense<0.000000e+00> : vector<128xf32>
    %reduce_sum3A_14 = vector.multi_reduction <add>, %exp3A, %reduce_sum3A [1] : vector<128x8192xf32> to vector<128xf32>
    %broadcast_in_dim3A_15 = vector.shape_cast %reduce_sum3A_14 : vector<128xf32> to vector<128x1xf32>
    %get3A_16 = arith.constant 0 : index
    %get3A_17 = arith.constant 0 : index
    %get3A_18 = vector.load %arg5[%get3A_16, %get3A_17] : memref<128x1xf32, #tpu.memory_space<vmem>>, vector<128x1xf32>
    %sub3A_19 = arith.subf %get3A_12, %max3A : vector<128x1xf32>
    %exp3A_20 = math.exp %sub3A_19 : vector<128x1xf32>
    %mul3A_21 = arith.mulf %get3A_18, %exp3A_20 : vector<128x1xf32>
    %add3A_22 = arith.addf %mul3A_21, %broadcast_in_dim3A_15 : vector<128x1xf32>
    %swap3A = arith.constant 0 : index
    %swap3A_23 = arith.constant 0 : index
    %swap3A_24 = vector.load %arg5[%swap3A, %swap3A_23] : memref<128x1xf32, #tpu.memory_space<vmem>>, vector<128x1xf32>
    tpu.vector_store %arg5[%swap3A, %swap3A_23], %add3A_22 {strides = array<i32>} : memref<128x1xf32, #tpu.memory_space<vmem>>, vector<128x1xf32>,
    %swap3A_25 = arith.constant 0 : index
    %swap3A_26 = arith.constant 0 : index
    %swap3A_27 = vector.load %arg4[%swap3A_25, %swap3A_26] : memref<128x1xf32, #tpu.memory_space<vmem>>, vector<128x1xf32>
    tpu.vector_store %arg4[%swap3A_25, %swap3A_26], %max3A {strides = array<i32>} : memref<128x1xf32, #tpu.memory_space<vmem>>, vector<128x1xf32>,
    %eq3A_28 = arith.constant 12 : i32
    %eq3A_29 = arith.cmpi eq, %arg0, %eq3A_28 : i32
    %convert_element_type3A_30 = arith.extui %eq3A_29 : i1 to i32
    %cond3A_31 = arith.constant 0 : i32
    %cond3A_32 = arith.cmpi ne, %convert_element_type3A_30, %cond3A_31 : i32
    scf.if %cond3A_32 {
      %get3A_33 = arith.constant 0 : index
      %get3A_34 = arith.constant 0 : index
      %get3A_35 = vector.load %arg4[%get3A_33, %get3A_34] : memref<128x1xf32, #tpu.memory_space<vmem>>, vector<128x1xf32>
      %swap3A_36 = arith.constant 0 : index
      %swap3A_37 = arith.constant 0 : index
      %swap3A_38 = vector.load %arg2[%swap3A_36, %swap3A_37] : memref<128x1xf32, #tpu.memory_space<vmem>>, vector<128x1xf32>
      tpu.vector_store %arg2[%swap3A_36, %swap3A_37], %get3A_35 {strides = array<i32>} : memref<128x1xf32, #tpu.memory_space<vmem>>, vector<128x1xf32>,
      %get3A_39 = arith.constant 0 : index
      %get3A_40 = arith.constant 0 : index
      %get3A_41 = vector.load %arg5[%get3A_39, %get3A_40] : memref<128x1xf32, #tpu.memory_space<vmem>>, vector<128x1xf32>
      %swap3A_42 = arith.constant 0 : index
      %swap3A_43 = arith.constant 0 : index
      %swap3A_44 = vector.load %arg3[%swap3A_42, %swap3A_43] : memref<128x1xf32, #tpu.memory_space<vmem>>, vector<128x1xf32>
      tpu.vector_store %arg3[%swap3A_42, %swap3A_43], %get3A_41 {strides = array<i32>} : memref<128x1xf32, #tpu.memory_space<vmem>>, vector<128x1xf32>,
    } else {
    }
    return
  }
  func.func @transform_0(%arg0: i32) -> (i32, i32) {
    %c0_i32 = arith.constant 0 : i32
    %c0_i32_0 = arith.constant 0 : i32
    return %c0_i32, %arg0 : i32, i32
  }
  func.func @transform_1(%arg0: i32) -> (i32, i32) {
    %c0_i32 = arith.constant 0 : i32
    %c0_i32_0 = arith.constant 0 : i32
    %c0_i32_1 = arith.constant 0 : i32
    return %c0_i32, %c0_i32_0 : i32, i32
  }
  func.func @transform_2(%arg0: i32) -> (i32, i32) {
    %c0_i32 = arith.constant 0 : i32
    %c0_i32_0 = arith.constant 0 : i32
    %c0_i32_1 = arith.constant 0 : i32
    return %c0_i32, %c0_i32_0 : i32, i32
  }
}

module attributes {stable_mosaic.version = 14 : i64} {
  func.func @_combine_kernel(%arg0: memref<128x1020xf32, #tpu.memory_space<vmem>>, %arg1: memref<128x1020xf32, #tpu.memory_space<vmem>>, %arg2: memref<128x1020xi32, #tpu.memory_space<vmem>>, %arg3: memref<128x1xf32, #tpu.memory_space<vmem>>, %arg4: memref<128x1xf32, #tpu.memory_space<vmem>>, %arg5: memref<128x1xf32, #tpu.memory_space<vmem>>, %arg6: memref<128x1xf32, #tpu.memory_space<vmem>>, %arg7: memref<128x1xi32, #tpu.memory_space<vmem>>, %arg8: memref<128x1xf32, #tpu.memory_space<vmem>>, %arg9: memref<128x1xi32, #tpu.memory_space<vmem>>) attributes {dimension_semantics = [], scalar_prefetch = 0 : i64, scratch_operands = 0 : i64, tpu.core_type = #tpu.core_type<tc>} {
    %get3A = arith.constant 0 : index
    %get3A_0 = arith.constant 0 : index
    %get3A_1 = vector.load %arg0[%get3A, %get3A_0] : memref<128x1020xf32, #tpu.memory_space<vmem>>, vector<128x1020xf32>
    %get3A_2 = arith.constant 0 : index
    %get3A_3 = arith.constant 0 : index
    %get3A_4 = vector.load %arg1[%get3A_2, %get3A_3] : memref<128x1020xf32, #tpu.memory_space<vmem>>, vector<128x1020xf32>
    %add3A = arith.addf %get3A_1, %get3A_4 : vector<128x1020xf32>
    %reduce_max3A = arith.constant dense<0xFF800000> : vector<128xf32>
    %reduce_max3A_5 = vector.multi_reduction <maximumf>, %add3A, %reduce_max3A [1] : vector<128x1020xf32> to vector<128xf32>
    %broadcast_in_dim3A = vector.shape_cast %reduce_max3A_5 : vector<128xf32> to vector<128x1xf32>
    %eq3A = vector.broadcast %broadcast_in_dim3A : vector<128x1xf32> to vector<128x1020xf32>
    %eq3A_6 = arith.cmpf oeq, %add3A, %eq3A : vector<128x1020xf32>
    %get3A_7 = arith.constant 0 : index
    %get3A_8 = arith.constant 0 : index
    %get3A_9 = vector.load %arg2[%get3A_7, %get3A_8] : memref<128x1020xi32, #tpu.memory_space<vmem>>, vector<128x1020xi32>
    %jit3A = arith.constant 2147483647 : i32
    %broadcast_in_dim3A_10 = vector.broadcast %jit3A : i32 to vector<128x1020xi32>
    %select_n3A = arith.select %eq3A_6, %get3A_9, %broadcast_in_dim3A_10 : vector<128x1020xi1>, vector<128x1020xi32>
    %reduce_min3A = arith.constant dense<2147483647> : vector<128xi32>
    %reduce_min3A_11 = vector.multi_reduction <minsi>, %select_n3A, %reduce_min3A [1] : vector<128x1020xi32> to vector<128xi32>
    %broadcast_in_dim3A_12 = vector.shape_cast %reduce_min3A_11 : vector<128xi32> to vector<128x1xi32>
    %swap3A = arith.constant 0 : index
    %swap3A_13 = arith.constant 0 : index
    %swap3A_14 = vector.load %arg7[%swap3A, %swap3A_13] : memref<128x1xi32, #tpu.memory_space<vmem>>, vector<128x1xi32>
    tpu.vector_store %arg7[%swap3A, %swap3A_13], %broadcast_in_dim3A_12 {strides = array<i32>} : memref<128x1xi32, #tpu.memory_space<vmem>>, vector<128x1xi32>,
    %get3A_15 = arith.constant 0 : index
    %get3A_16 = arith.constant 0 : index
    %get3A_17 = vector.load %arg5[%get3A_15, %get3A_16] : memref<128x1xf32, #tpu.memory_space<vmem>>, vector<128x1xf32>
    %get3A_18 = arith.constant 0 : index
    %get3A_19 = arith.constant 0 : index
    %get3A_20 = vector.load %arg3[%get3A_18, %get3A_19] : memref<128x1xf32, #tpu.memory_space<vmem>>, vector<128x1xf32>
    %add3A_21 = arith.addf %get3A_17, %get3A_20 : vector<128x1xf32>
    %ge3A = arith.cmpf oge, %add3A_21, %broadcast_in_dim3A : vector<128x1xf32>
    %convert_element_type3A = arith.extui %ge3A : vector<128x1xi1> to vector<128x1xi32>
    %swap3A_22 = arith.constant 0 : index
    %swap3A_23 = arith.constant 0 : index
    %swap3A_24 = vector.load %arg9[%swap3A_22, %swap3A_23] : memref<128x1xi32, #tpu.memory_space<vmem>>, vector<128x1xi32>
    tpu.vector_store %arg9[%swap3A_22, %swap3A_23], %convert_element_type3A {strides = array<i32>} : memref<128x1xi32, #tpu.memory_space<vmem>>, vector<128x1xi32>,
    %get3A_25 = arith.constant 0 : index
    %get3A_26 = arith.constant 0 : index
    %get3A_27 = vector.load %arg4[%get3A_25, %get3A_26] : memref<128x1xf32, #tpu.memory_space<vmem>>, vector<128x1xf32>
    %get3A_28 = arith.constant 0 : index
    %get3A_29 = arith.constant 0 : index
    %get3A_30 = vector.load %arg6[%get3A_28, %get3A_29] : memref<128x1xf32, #tpu.memory_space<vmem>>, vector<128x1xf32>
    %log3A = math.log %get3A_30 : vector<128x1xf32>
    %add3A_31 = arith.addf %get3A_17, %log3A : vector<128x1xf32>
    %sub3A = arith.subf %get3A_27, %add3A_31 : vector<128x1xf32>
    %swap3A_32 = arith.constant 0 : index
    %swap3A_33 = arith.constant 0 : index
    %swap3A_34 = vector.load %arg8[%swap3A_32, %swap3A_33] : memref<128x1xf32, #tpu.memory_space<vmem>>, vector<128x1xf32>
    tpu.vector_store %arg8[%swap3A_32, %swap3A_33], %sub3A {strides = array<i32>} : memref<128x1xf32, #tpu.memory_space<vmem>>, vector<128x1xf32>,
    return
  }
}

module attributes {stable_mosaic.version = 14 : i64} {
  func.func @_full_kernel(%arg0: i32, %arg1: memref<64x8192xf32, #tpu.memory_space<vmem>>, %arg2: memref<64x8192xf32, #tpu.memory_space<vmem>>, %arg3: memref<64x8192xf32, #tpu.memory_space<vmem>>, %arg4: memref<64x8192xf32, #tpu.memory_space<vmem>>, %arg5: memref<128x1xi32, #tpu.memory_space<vmem>>, %arg6: memref<128x1xi32, #tpu.memory_space<vmem>>, %arg7: memref<128x1xf32, #tpu.memory_space<vmem>>, %arg8: memref<128x1xf32, #tpu.memory_space<vmem>>, %arg9: memref<128x1xf32, #tpu.memory_space<vmem>>, %arg10: memref<128x1xf32, #tpu.memory_space<vmem>>, %arg11: memref<128x1xi32, #tpu.memory_space<vmem>>, %arg12: memref<128x1xf32, #tpu.memory_space<vmem>>) attributes {dimension_semantics = [#tpu.dimension_semantics<arbitrary>], iteration_bounds = array<i64: 13>, scalar_prefetch = 0 : i64, scratch_operands = 5 : i64, tpu.core_type = #tpu.core_type<tc>, window_params = [{transform_indices = @transform_0, window_bounds = array<i64: 64, 8192>}, {transform_indices = @transform_1, window_bounds = array<i64: 64, 8192>}, {transform_indices = @transform_2, window_bounds = array<i64: 64, 8192>}, {transform_indices = @transform_3, window_bounds = array<i64: 64, 8192>}, {pipeline_mode = #tpu.pipeline_mode<synchronous>, transform_indices = @transform_4, window_bounds = array<i64: 128, 1>}, {pipeline_mode = #tpu.pipeline_mode<synchronous>, transform_indices = @transform_5, window_bounds = array<i64: 128, 1>}, {pipeline_mode = #tpu.pipeline_mode<synchronous>, transform_indices = @transform_6, window_bounds = array<i64: 128, 1>}]} {
    %eq3A = arith.constant 0 : i32
    %eq3A_0 = arith.cmpi eq, %arg0, %eq3A : i32
    %convert_element_type3A = arith.extui %eq3A_0 : i1 to i32
    %cond3A = arith.constant 0 : i32
    %cond3A_1 = arith.cmpi ne, %convert_element_type3A, %cond3A : i32
    scf.if %cond3A_1 {
      %broadcast_in_dim3A_179 = arith.constant 0xFF800000 : f32
      %broadcast_in_dim3A_180 = vector.broadcast %broadcast_in_dim3A_179 : f32 to vector<128x1xf32>
      %swap3A_181 = arith.constant 0 : index
      %swap3A_182 = arith.constant 0 : index
      %swap3A_183 = vector.load %arg8[%swap3A_181, %swap3A_182] : memref<128x1xf32, #tpu.memory_space<vmem>>, vector<128x1xf32>
      tpu.vector_store %arg8[%swap3A_181, %swap3A_182], %broadcast_in_dim3A_180 {strides = array<i32>} : memref<128x1xf32, #tpu.memory_space<vmem>>, vector<128x1xf32>,
      %broadcast_in_dim3A_184 = arith.constant 0.000000e+00 : f32
      %broadcast_in_dim3A_185 = vector.broadcast %broadcast_in_dim3A_184 : f32 to vector<128x1xf32>
      %swap3A_186 = arith.constant 0 : index
      %swap3A_187 = arith.constant 0 : index
      %swap3A_188 = vector.load %arg9[%swap3A_186, %swap3A_187] : memref<128x1xf32, #tpu.memory_space<vmem>>, vector<128x1xf32>
      tpu.vector_store %arg9[%swap3A_186, %swap3A_187], %broadcast_in_dim3A_185 {strides = array<i32>} : memref<128x1xf32, #tpu.memory_space<vmem>>, vector<128x1xf32>,
      %broadcast_in_dim3A_189 = arith.constant 0xFF800000 : f32
      %broadcast_in_dim3A_190 = vector.broadcast %broadcast_in_dim3A_189 : f32 to vector<128x1xf32>
      %swap3A_191 = arith.constant 0 : index
      %swap3A_192 = arith.constant 0 : index
      %swap3A_193 = vector.load %arg10[%swap3A_191, %swap3A_192] : memref<128x1xf32, #tpu.memory_space<vmem>>, vector<128x1xf32>
      tpu.vector_store %arg10[%swap3A_191, %swap3A_192], %broadcast_in_dim3A_190 {strides = array<i32>} : memref<128x1xf32, #tpu.memory_space<vmem>>, vector<128x1xf32>,
      %broadcast_in_dim3A_194 = arith.constant 0 : i32
      %broadcast_in_dim3A_195 = vector.broadcast %broadcast_in_dim3A_194 : i32 to vector<128x1xi32>
      %swap3A_196 = arith.constant 0 : index
      %swap3A_197 = arith.constant 0 : index
      %swap3A_198 = vector.load %arg11[%swap3A_196, %swap3A_197] : memref<128x1xi32, #tpu.memory_space<vmem>>, vector<128x1xi32>
      tpu.vector_store %arg11[%swap3A_196, %swap3A_197], %broadcast_in_dim3A_195 {strides = array<i32>} : memref<128x1xi32, #tpu.memory_space<vmem>>, vector<128x1xi32>,
      %broadcast_in_dim3A_199 = arith.constant 0.000000e+00 : f32
      %broadcast_in_dim3A_200 = vector.broadcast %broadcast_in_dim3A_199 : f32 to vector<128x1xf32>
      %swap3A_201 = arith.constant 0 : index
      %swap3A_202 = arith.constant 0 : index
      %swap3A_203 = vector.load %arg12[%swap3A_201, %swap3A_202] : memref<128x1xf32, #tpu.memory_space<vmem>>, vector<128x1xf32>
      tpu.vector_store %arg12[%swap3A_201, %swap3A_202], %broadcast_in_dim3A_200 {strides = array<i32>} : memref<128x1xf32, #tpu.memory_space<vmem>>, vector<128x1xf32>,
    } else {
    }
    %mul3A = arith.constant 8192 : i32
    %mul3A_2 = arith.muli %arg0, %mul3A : i32
    %iota3A = tpu.iota {dimensions = array<i32: 1>} : vector<64x8192xi32>
    %add3A = vector.broadcast %mul3A_2 : i32 to vector<64x8192xi32>
    %add3A_3 = arith.addi %add3A, %iota3A : vector<64x8192xi32>
    %lt3A = arith.constant 100000 : i32
    %lt3A_4 = vector.broadcast %lt3A : i32 to vector<64x8192xi32>
    %lt3A_5 = arith.cmpi slt, %add3A_3, %lt3A_4 : vector<64x8192xi32>
    %get3A = arith.constant 0 : index
    %get3A_6 = arith.constant 0 : index
    %get3A_7 = vector.load %arg1[%get3A, %get3A_6] : memref<64x8192xf32, #tpu.memory_space<vmem>>, vector<64x8192xf32>
    %jit3A = arith.constant 0xFF800000 : f32
    %broadcast_in_dim3A = vector.broadcast %jit3A : f32 to vector<64x8192xf32>
    %select_n3A = arith.select %lt3A_5, %get3A_7, %broadcast_in_dim3A : vector<64x8192xi1>, vector<64x8192xf32>
    %get3A_8 = arith.constant 0 : index
    %get3A_9 = arith.constant 0 : index
    %get3A_10 = vector.load %arg3[%get3A_8, %get3A_9] : memref<64x8192xf32, #tpu.memory_space<vmem>>, vector<64x8192xf32>
    %add3A_11 = arith.addf %select_n3A, %get3A_10 : vector<64x8192xf32>
    %jit3A_12 = arith.constant 0xFF800000 : f32
    %broadcast_in_dim3A_13 = vector.broadcast %jit3A_12 : f32 to vector<64x8192xf32>
    %select_n3A_14 = arith.select %lt3A_5, %add3A_11, %broadcast_in_dim3A_13 : vector<64x8192xi1>, vector<64x8192xf32>
    %reduce_max3A = arith.constant dense<0xFF800000> : vector<64xf32>
    %reduce_max3A_15 = vector.multi_reduction <maximumf>, %select_n3A_14, %reduce_max3A [1] : vector<64x8192xf32> to vector<64xf32>
    %broadcast_in_dim3A_16 = vector.shape_cast %reduce_max3A_15 : vector<64xf32> to vector<64x1xf32>
    %eq3A_17 = vector.broadcast %broadcast_in_dim3A_16 : vector<64x1xf32> to vector<64x8192xf32>
    %eq3A_18 = arith.cmpf oeq, %select_n3A_14, %eq3A_17 : vector<64x8192xf32>
    %jit3A_19 = arith.constant 2147483647 : i32
    %broadcast_in_dim3A_20 = vector.broadcast %jit3A_19 : i32 to vector<64x8192xi32>
    %select_n3A_21 = arith.select %eq3A_18, %add3A_3, %broadcast_in_dim3A_20 : vector<64x8192xi1>, vector<64x8192xi32>
    %reduce_min3A = arith.constant dense<2147483647> : vector<64xi32>
    %reduce_min3A_22 = vector.multi_reduction <minsi>, %select_n3A_21, %reduce_min3A [1] : vector<64x8192xi32> to vector<64xi32>
    %broadcast_in_dim3A_23 = vector.shape_cast %reduce_min3A_22 : vector<64xi32> to vector<64x1xi32>
    %get3A_24 = arith.constant 0 : index
    %get3A_25 = arith.constant 0 : index
    %get3A_26 = vector.load %arg10[%get3A_24, %get3A_25] : memref<128x1xf32, #tpu.memory_space<vmem>>, vector<64x1xf32>
    %gt3A = arith.cmpf ogt, %broadcast_in_dim3A_16, %get3A_26 : vector<64x1xf32>
    %get3A_27 = arith.constant 0 : index
    %get3A_28 = arith.constant 0 : index
    %get3A_29 = vector.load %arg10[%get3A_27, %get3A_28] : memref<128x1xf32, #tpu.memory_space<vmem>>, vector<64x1xf32>
    %select_n3A_30 = arith.select %gt3A, %broadcast_in_dim3A_16, %get3A_29 : vector<64x1xi1>, vector<64x1xf32>
    %swap3A = arith.constant 0 : index
    %swap3A_31 = arith.constant 0 : index
    %swap3A_32 = vector.load %arg10[%swap3A, %swap3A_31] : memref<128x1xf32, #tpu.memory_space<vmem>>, vector<64x1xf32>
    tpu.vector_store %arg10[%swap3A, %swap3A_31], %select_n3A_30 {strides = array<i32>} : memref<128x1xf32, #tpu.memory_space<vmem>>, vector<64x1xf32>,
    %get3A_33 = arith.constant 0 : index
    %get3A_34 = arith.constant 0 : index
    %get3A_35 = vector.load %arg11[%get3A_33, %get3A_34] : memref<128x1xi32, #tpu.memory_space<vmem>>, vector<64x1xi32>
    %select_n3A_36 = arith.select %gt3A, %broadcast_in_dim3A_23, %get3A_35 : vector<64x1xi1>, vector<64x1xi32>
    %swap3A_37 = arith.constant 0 : index
    %swap3A_38 = arith.constant 0 : index
    %swap3A_39 = vector.load %arg11[%swap3A_37, %swap3A_38] : memref<128x1xi32, #tpu.memory_space<vmem>>, vector<64x1xi32>
    tpu.vector_store %arg11[%swap3A_37, %swap3A_38], %select_n3A_36 {strides = array<i32>} : memref<128x1xi32, #tpu.memory_space<vmem>>, vector<64x1xi32>,
    %reduce_max3A_40 = arith.constant dense<0xFF800000> : vector<64xf32>
    %reduce_max3A_41 = vector.multi_reduction <maximumf>, %select_n3A, %reduce_max3A_40 [1] : vector<64x8192xf32> to vector<64xf32>
    %broadcast_in_dim3A_42 = vector.shape_cast %reduce_max3A_41 : vector<64xf32> to vector<64x1xf32>
    %get3A_43 = arith.constant 0 : index
    %get3A_44 = arith.constant 0 : index
    %get3A_45 = vector.load %arg8[%get3A_43, %get3A_44] : memref<128x1xf32, #tpu.memory_space<vmem>>, vector<64x1xf32>
    %max3A = arith.maximumf %get3A_45, %broadcast_in_dim3A_42 : vector<64x1xf32>
    %sub3A = vector.broadcast %max3A : vector<64x1xf32> to vector<64x8192xf32>
    %sub3A_46 = arith.subf %select_n3A, %sub3A : vector<64x8192xf32>
    %exp3A = math.exp %sub3A_46 : vector<64x8192xf32>
    %reduce_sum3A = arith.constant dense<0.000000e+00> : vector<64xf32>
    %reduce_sum3A_47 = vector.multi_reduction <add>, %exp3A, %reduce_sum3A [1] : vector<64x8192xf32> to vector<64xf32>
    %broadcast_in_dim3A_48 = vector.shape_cast %reduce_sum3A_47 : vector<64xf32> to vector<64x1xf32>
    %get3A_49 = arith.constant 0 : index
    %get3A_50 = arith.constant 0 : index
    %get3A_51 = vector.load %arg9[%get3A_49, %get3A_50] : memref<128x1xf32, #tpu.memory_space<vmem>>, vector<64x1xf32>
    %sub3A_52 = arith.subf %get3A_45, %max3A : vector<64x1xf32>
    %exp3A_53 = math.exp %sub3A_52 : vector<64x1xf32>
    %mul3A_54 = arith.mulf %get3A_51, %exp3A_53 : vector<64x1xf32>
    %add3A_55 = arith.addf %mul3A_54, %broadcast_in_dim3A_48 : vector<64x1xf32>
    %swap3A_56 = arith.constant 0 : index
    %swap3A_57 = arith.constant 0 : index
    %swap3A_58 = vector.load %arg9[%swap3A_56, %swap3A_57] : memref<128x1xf32, #tpu.memory_space<vmem>>, vector<64x1xf32>
    tpu.vector_store %arg9[%swap3A_56, %swap3A_57], %add3A_55 {strides = array<i32>} : memref<128x1xf32, #tpu.memory_space<vmem>>, vector<64x1xf32>,
    %swap3A_59 = arith.constant 0 : index
    %swap3A_60 = arith.constant 0 : index
    %swap3A_61 = vector.load %arg8[%swap3A_59, %swap3A_60] : memref<128x1xf32, #tpu.memory_space<vmem>>, vector<64x1xf32>
    tpu.vector_store %arg8[%swap3A_59, %swap3A_60], %max3A {strides = array<i32>} : memref<128x1xf32, #tpu.memory_space<vmem>>, vector<64x1xf32>,
    %get3A_62 = arith.constant 0 : index
    %get3A_63 = arith.constant 0 : index
    %get3A_64 = vector.load %arg12[%get3A_62, %get3A_63] : memref<128x1xf32, #tpu.memory_space<vmem>>, vector<64x1xf32>
    %get3A_65 = arith.constant 0 : index
    %get3A_66 = arith.constant 0 : index
    %get3A_67 = vector.load %arg5[%get3A_65, %get3A_66] : memref<128x1xi32, #tpu.memory_space<vmem>>, vector<64x1xi32>
    %eq3A_68 = vector.broadcast %get3A_67 : vector<64x1xi32> to vector<64x8192xi32>
    %eq3A_69 = arith.cmpi eq, %add3A_3, %eq3A_68 : vector<64x8192xi32>
    %jit3A_70 = arith.constant 0.000000e+00 : f32
    %broadcast_in_dim3A_71 = vector.broadcast %jit3A_70 : f32 to vector<64x8192xf32>
    %select_n3A_72 = arith.select %eq3A_69, %select_n3A, %broadcast_in_dim3A_71 : vector<64x8192xi1>, vector<64x8192xf32>
    %reduce_sum3A_73 = arith.constant dense<0.000000e+00> : vector<64xf32>
    %reduce_sum3A_74 = vector.multi_reduction <add>, %select_n3A_72, %reduce_sum3A_73 [1] : vector<64x8192xf32> to vector<64xf32>
    %broadcast_in_dim3A_75 = vector.shape_cast %reduce_sum3A_74 : vector<64xf32> to vector<64x1xf32>
    %add3A_76 = arith.addf %get3A_64, %broadcast_in_dim3A_75 : vector<64x1xf32>
    %swap3A_77 = arith.constant 0 : index
    %swap3A_78 = arith.constant 0 : index
    %swap3A_79 = vector.load %arg12[%swap3A_77, %swap3A_78] : memref<128x1xf32, #tpu.memory_space<vmem>>, vector<64x1xf32>
    tpu.vector_store %arg12[%swap3A_77, %swap3A_78], %add3A_76 {strides = array<i32>} : memref<128x1xf32, #tpu.memory_space<vmem>>, vector<64x1xf32>,
    %mul3A_80 = arith.constant 8192 : i32
    %mul3A_81 = arith.muli %arg0, %mul3A_80 : i32
    %iota3A_82 = tpu.iota {dimensions = array<i32: 1>} : vector<64x8192xi32>
    %add3A_83 = vector.broadcast %mul3A_81 : i32 to vector<64x8192xi32>
    %add3A_84 = arith.addi %add3A_83, %iota3A_82 : vector<64x8192xi32>
    %lt3A_85 = arith.constant 100000 : i32
    %lt3A_86 = vector.broadcast %lt3A_85 : i32 to vector<64x8192xi32>
    %lt3A_87 = arith.cmpi slt, %add3A_84, %lt3A_86 : vector<64x8192xi32>
    %get3A_88 = arith.constant 0 : index
    %get3A_89 = arith.constant 0 : index
    %get3A_90 = vector.load %arg2[%get3A_88, %get3A_89] : memref<64x8192xf32, #tpu.memory_space<vmem>>, vector<64x8192xf32>
    %jit3A_91 = arith.constant 0xFF800000 : f32
    %broadcast_in_dim3A_92 = vector.broadcast %jit3A_91 : f32 to vector<64x8192xf32>
    %select_n3A_93 = arith.select %lt3A_87, %get3A_90, %broadcast_in_dim3A_92 : vector<64x8192xi1>, vector<64x8192xf32>
    %get3A_94 = arith.constant 0 : index
    %get3A_95 = arith.constant 0 : index
    %get3A_96 = vector.load %arg4[%get3A_94, %get3A_95] : memref<64x8192xf32, #tpu.memory_space<vmem>>, vector<64x8192xf32>
    %add3A_97 = arith.addf %select_n3A_93, %get3A_96 : vector<64x8192xf32>
    %jit3A_98 = arith.constant 0xFF800000 : f32
    %broadcast_in_dim3A_99 = vector.broadcast %jit3A_98 : f32 to vector<64x8192xf32>
    %select_n3A_100 = arith.select %lt3A_87, %add3A_97, %broadcast_in_dim3A_99 : vector<64x8192xi1>, vector<64x8192xf32>
    %reduce_max3A_101 = arith.constant dense<0xFF800000> : vector<64xf32>
    %reduce_max3A_102 = vector.multi_reduction <maximumf>, %select_n3A_100, %reduce_max3A_101 [1] : vector<64x8192xf32> to vector<64xf32>
    %broadcast_in_dim3A_103 = vector.shape_cast %reduce_max3A_102 : vector<64xf32> to vector<64x1xf32>
    %eq3A_104 = vector.broadcast %broadcast_in_dim3A_103 : vector<64x1xf32> to vector<64x8192xf32>
    %eq3A_105 = arith.cmpf oeq, %select_n3A_100, %eq3A_104 : vector<64x8192xf32>
    %jit3A_106 = arith.constant 2147483647 : i32
    %broadcast_in_dim3A_107 = vector.broadcast %jit3A_106 : i32 to vector<64x8192xi32>
    %select_n3A_108 = arith.select %eq3A_105, %add3A_84, %broadcast_in_dim3A_107 : vector<64x8192xi1>, vector<64x8192xi32>
    %reduce_min3A_109 = arith.constant dense<2147483647> : vector<64xi32>
    %reduce_min3A_110 = vector.multi_reduction <minsi>, %select_n3A_108, %reduce_min3A_109 [1] : vector<64x8192xi32> to vector<64xi32>
    %broadcast_in_dim3A_111 = vector.shape_cast %reduce_min3A_110 : vector<64xi32> to vector<64x1xi32>
    %get3A_112 = arith.constant 64 : index
    %get3A_113 = arith.constant 0 : index
    %get3A_114 = vector.load %arg10[%get3A_112, %get3A_113] : memref<128x1xf32, #tpu.memory_space<vmem>>, vector<64x1xf32>
    %gt3A_115 = arith.cmpf ogt, %broadcast_in_dim3A_103, %get3A_114 : vector<64x1xf32>
    %get3A_116 = arith.constant 64 : index
    %get3A_117 = arith.constant 0 : index
    %get3A_118 = vector.load %arg10[%get3A_116, %get3A_117] : memref<128x1xf32, #tpu.memory_space<vmem>>, vector<64x1xf32>
    %select_n3A_119 = arith.select %gt3A_115, %broadcast_in_dim3A_103, %get3A_118 : vector<64x1xi1>, vector<64x1xf32>
    %swap3A_120 = arith.constant 64 : index
    %swap3A_121 = arith.constant 0 : index
    %swap3A_122 = vector.load %arg10[%swap3A_120, %swap3A_121] : memref<128x1xf32, #tpu.memory_space<vmem>>, vector<64x1xf32>
    tpu.vector_store %arg10[%swap3A_120, %swap3A_121], %select_n3A_119 {strides = array<i32>} : memref<128x1xf32, #tpu.memory_space<vmem>>, vector<64x1xf32>,
    %get3A_123 = arith.constant 64 : index
    %get3A_124 = arith.constant 0 : index
    %get3A_125 = vector.load %arg11[%get3A_123, %get3A_124] : memref<128x1xi32, #tpu.memory_space<vmem>>, vector<64x1xi32>
    %select_n3A_126 = arith.select %gt3A_115, %broadcast_in_dim3A_111, %get3A_125 : vector<64x1xi1>, vector<64x1xi32>
    %swap3A_127 = arith.constant 64 : index
    %swap3A_128 = arith.constant 0 : index
    %swap3A_129 = vector.load %arg11[%swap3A_127, %swap3A_128] : memref<128x1xi32, #tpu.memory_space<vmem>>, vector<64x1xi32>
    tpu.vector_store %arg11[%swap3A_127, %swap3A_128], %select_n3A_126 {strides = array<i32>} : memref<128x1xi32, #tpu.memory_space<vmem>>, vector<64x1xi32>,
    %reduce_max3A_130 = arith.constant dense<0xFF800000> : vector<64xf32>
    %reduce_max3A_131 = vector.multi_reduction <maximumf>, %select_n3A_93, %reduce_max3A_130 [1] : vector<64x8192xf32> to vector<64xf32>
    %broadcast_in_dim3A_132 = vector.shape_cast %reduce_max3A_131 : vector<64xf32> to vector<64x1xf32>
    %get3A_133 = arith.constant 64 : index
    %get3A_134 = arith.constant 0 : index
    %get3A_135 = vector.load %arg8[%get3A_133, %get3A_134] : memref<128x1xf32, #tpu.memory_space<vmem>>, vector<64x1xf32>
    %max3A_136 = arith.maximumf %get3A_135, %broadcast_in_dim3A_132 : vector<64x1xf32>
    %sub3A_137 = vector.broadcast %max3A_136 : vector<64x1xf32> to vector<64x8192xf32>
    %sub3A_138 = arith.subf %select_n3A_93, %sub3A_137 : vector<64x8192xf32>
    %exp3A_139 = math.exp %sub3A_138 : vector<64x8192xf32>
    %reduce_sum3A_140 = arith.constant dense<0.000000e+00> : vector<64xf32>
    %reduce_sum3A_141 = vector.multi_reduction <add>, %exp3A_139, %reduce_sum3A_140 [1] : vector<64x8192xf32> to vector<64xf32>
    %broadcast_in_dim3A_142 = vector.shape_cast %reduce_sum3A_141 : vector<64xf32> to vector<64x1xf32>
    %get3A_143 = arith.constant 64 : index
    %get3A_144 = arith.constant 0 : index
    %get3A_145 = vector.load %arg9[%get3A_143, %get3A_144] : memref<128x1xf32, #tpu.memory_space<vmem>>, vector<64x1xf32>
    %sub3A_146 = arith.subf %get3A_135, %max3A_136 : vector<64x1xf32>
    %exp3A_147 = math.exp %sub3A_146 : vector<64x1xf32>
    %mul3A_148 = arith.mulf %get3A_145, %exp3A_147 : vector<64x1xf32>
    %add3A_149 = arith.addf %mul3A_148, %broadcast_in_dim3A_142 : vector<64x1xf32>
    %swap3A_150 = arith.constant 64 : index
    %swap3A_151 = arith.constant 0 : index
    %swap3A_152 = vector.load %arg9[%swap3A_150, %swap3A_151] : memref<128x1xf32, #tpu.memory_space<vmem>>, vector<64x1xf32>
    tpu.vector_store %arg9[%swap3A_150, %swap3A_151], %add3A_149 {strides = array<i32>} : memref<128x1xf32, #tpu.memory_space<vmem>>, vector<64x1xf32>,
    %swap3A_153 = arith.constant 64 : index
    %swap3A_154 = arith.constant 0 : index
    %swap3A_155 = vector.load %arg8[%swap3A_153, %swap3A_154] : memref<128x1xf32, #tpu.memory_space<vmem>>, vector<64x1xf32>
    tpu.vector_store %arg8[%swap3A_153, %swap3A_154], %max3A_136 {strides = array<i32>} : memref<128x1xf32, #tpu.memory_space<vmem>>, vector<64x1xf32>,
    %get3A_156 = arith.constant 64 : index
    %get3A_157 = arith.constant 0 : index
    %get3A_158 = vector.load %arg12[%get3A_156, %get3A_157] : memref<128x1xf32, #tpu.memory_space<vmem>>, vector<64x1xf32>
    %get3A_159 = arith.constant 64 : index
    %get3A_160 = arith.constant 0 : index
    %get3A_161 = vector.load %arg5[%get3A_159, %get3A_160] : memref<128x1xi32, #tpu.memory_space<vmem>>, vector<64x1xi32>
    %eq3A_162 = vector.broadcast %get3A_161 : vector<64x1xi32> to vector<64x8192xi32>
    %eq3A_163 = arith.cmpi eq, %add3A_84, %eq3A_162 : vector<64x8192xi32>
    %jit3A_164 = arith.constant 0.000000e+00 : f32
    %broadcast_in_dim3A_165 = vector.broadcast %jit3A_164 : f32 to vector<64x8192xf32>
    %select_n3A_166 = arith.select %eq3A_163, %select_n3A_93, %broadcast_in_dim3A_165 : vector<64x8192xi1>, vector<64x8192xf32>
    %reduce_sum3A_167 = arith.constant dense<0.000000e+00> : vector<64xf32>
    %reduce_sum3A_168 = vector.multi_reduction <add>, %select_n3A_166, %reduce_sum3A_167 [1] : vector<64x8192xf32> to vector<64xf32>
    %broadcast_in_dim3A_169 = vector.shape_cast %reduce_sum3A_168 : vector<64xf32> to vector<64x1xf32>
    %add3A_170 = arith.addf %get3A_158, %broadcast_in_dim3A_169 : vector<64x1xf32>
    %swap3A_171 = arith.constant 64 : index
    %swap3A_172 = arith.constant 0 : index
    %swap3A_173 = vector.load %arg12[%swap3A_171, %swap3A_172] : memref<128x1xf32, #tpu.memory_space<vmem>>, vector<64x1xf32>
    tpu.vector_store %arg12[%swap3A_171, %swap3A_172], %add3A_170 {strides = array<i32>} : memref<128x1xf32, #tpu.memory_space<vmem>>, vector<64x1xf32>,
    %eq3A_174 = arith.constant 12 : i32
    %eq3A_175 = arith.cmpi eq, %arg0, %eq3A_174 : i32
    %convert_element_type3A_176 = arith.extui %eq3A_175 : i1 to i32
    %cond3A_177 = arith.constant 0 : i32
    %cond3A_178 = arith.cmpi ne, %convert_element_type3A_176, %cond3A_177 : i32
    scf.if %cond3A_178 {
      %get3A_179 = arith.constant 0 : index
      %get3A_180 = arith.constant 0 : index
      %get3A_181 = vector.load %arg11[%get3A_179, %get3A_180] : memref<128x1xi32, #tpu.memory_space<vmem>>, vector<128x1xi32>
      %swap3A_182 = arith.constant 0 : index
      %swap3A_183 = arith.constant 0 : index
      %swap3A_184 = vector.load %arg6[%swap3A_182, %swap3A_183] : memref<128x1xi32, #tpu.memory_space<vmem>>, vector<128x1xi32>
      tpu.vector_store %arg6[%swap3A_182, %swap3A_183], %get3A_181 {strides = array<i32>} : memref<128x1xi32, #tpu.memory_space<vmem>>, vector<128x1xi32>,
      %get3A_185 = arith.constant 0 : index
      %get3A_186 = arith.constant 0 : index
      %get3A_187 = vector.load %arg12[%get3A_185, %get3A_186] : memref<128x1xf32, #tpu.memory_space<vmem>>, vector<128x1xf32>
      %get3A_188 = arith.constant 0 : index
      %get3A_189 = arith.constant 0 : index
      %get3A_190 = vector.load %arg8[%get3A_188, %get3A_189] : memref<128x1xf32, #tpu.memory_space<vmem>>, vector<128x1xf32>
      %get3A_191 = arith.constant 0 : index
      %get3A_192 = arith.constant 0 : index
      %get3A_193 = vector.load %arg9[%get3A_191, %get3A_192] : memref<128x1xf32, #tpu.memory_space<vmem>>, vector<128x1xf32>
      %log3A = math.log %get3A_193 : vector<128x1xf32>
      %add3A_194 = arith.addf %get3A_190, %log3A : vector<128x1xf32>
      %sub3A_195 = arith.subf %get3A_187, %add3A_194 : vector<128x1xf32>
      %swap3A_196 = arith.constant 0 : index
      %swap3A_197 = arith.constant 0 : index
      %swap3A_198 = vector.load %arg7[%swap3A_196, %swap3A_197] : memref<128x1xf32, #tpu.memory_space<vmem>>, vector<128x1xf32>
      tpu.vector_store %arg7[%swap3A_196, %swap3A_197], %sub3A_195 {strides = array<i32>} : memref<128x1xf32, #tpu.memory_space<vmem>>, vector<128x1xf32>,
    } else {
    }
    return
  }
  func.func @transform_0(%arg0: i32) -> (i32, i32) {
    %c0_i32 = arith.constant 0 : i32
    %c0_i32_0 = arith.constant 0 : i32
    return %c0_i32, %arg0 : i32, i32
  }
  func.func @transform_1(%arg0: i32) -> (i32, i32) {
    %c1_i32 = arith.constant 1 : i32
    %c0_i32 = arith.constant 0 : i32
    return %c1_i32, %arg0 : i32, i32
  }
  func.func @transform_2(%arg0: i32) -> (i32, i32) {
    %c0_i32 = arith.constant 0 : i32
    %c0_i32_0 = arith.constant 0 : i32
    return %c0_i32, %arg0 : i32, i32
  }
  func.func @transform_3(%arg0: i32) -> (i32, i32) {
    %c0_i32 = arith.constant 0 : i32
    %c0_i32_0 = arith.constant 0 : i32
    return %c0_i32, %arg0 : i32, i32
  }
  func.func @transform_4(%arg0: i32) -> (i32, i32) {
    %c0_i32 = arith.constant 0 : i32
    %c0_i32_0 = arith.constant 0 : i32
    %c0_i32_1 = arith.constant 0 : i32
    return %c0_i32, %c0_i32_0 : i32, i32
  }
  func.func @transform_5(%arg0: i32) -> (i32, i32) {
    %c0_i32 = arith.constant 0 : i32
    %c0_i32_0 = arith.constant 0 : i32
    %c0_i32_1 = arith.constant 0 : i32
    return %c0_i32, %c0_i32_0 : i32, i32
  }
  func.func @transform_6(%arg0: i32) -> (i32, i32) {
    %c0_i32 = arith.constant 0 : i32
    %c0_i32_0 = arith.constant 0 : i32
    %c0_i32_1 = arith.constant 0 : i32
    return %c0_i32, %c0_i32_0 : i32, i32
  }
}

</mosaic_0001>

<sc_bundles>
// kernel: _policy.5.cloned.1.call-start
scs
__scs_entry_jumppad:
0x0: {  	(pc) =	sbr.rel $0x88, $3  }
0x1: {  	(tag) =	ssettag $0x0;
	lr =	simm.s32 $0x1  }
0x2: {  	[smem:$0x3F9F] =	sst lr;
	_ =	strace $0xD0000000  }
0x3: {  	_ = 	snop  }
0x4: {  	_ = 	snop  }
0x5: {  	_ = 	snop  }
0x6: {  	_ = 	snop  }
0x7: {  	_ = 	snop  }
__scs_overlays_trampoline_lowered:
0x8: {  	[smem:$0x3FAE] =	sst s0  }
0x9: {  	[smem:$0x3FAF] =	sst s1  }
0xa: {  	[smem:$0x3FB0] =	sst s2  }
0xb: {  	[smem:$0x3FB1] =	sst s3  }
0xc: {  	[smem:$0x3FB2] =	sst s4  }
0xd: {  	[smem:$0x3FB3] =	sst s5  }
0xe: {  	[smem:$0x3FB4] =	sst s6  }
0xf: {  	[smem:$0x3FB5] =	sst s7  }
0x10: {  	[smem:$0x3FB6] =	sst s8  }
0x11: {  	[smem:$0x3FB7] =	sst s9;
	s0 =	simm.s32 @!p0 $0x0  }
0x12: {  	s1 =	sld [smem:$0x3F9D];
	s0 =	simm.s32 @p0 $0x1  }
0x13: {  	[smem:$0x3FB8] =	sst s0;
	s0 =	simm.s32 @!p1 $0x0  }
0x14: {  	s2 =	sld [smem:$0x3F9C];
	s0 =	simm.s32 @p1 $0x1  }
0x15: {  	[smem:$0x3FB9] =	sst s0;
	s0 =	simm.s32 @!p2 $0x0  }
0x16: {  	s3 =	sld [smem:$0x3FDB];
	s0 =	simm.s32 @p2 $0x1  }
0x17: {  	s4 =	simm.s32 $0x1BF5;
	[smem:$0x3FBB] =	sst s0  }
0x18: {  	s0 =	sld [smem:$0x3F9E];
	_ =	swait.ge [sflag:s4], $0x0  }
0x19: {  	s7 =	sld [smem:$0x3F9F]  }
0x1a: {  	s8 =	sadd.s32 $0xFFFFE003, lr  }
0x1b: {  	s9 =	sadd.s32 $0xFFFFFEF7, lr;
	s5 =	simm.s32 $0xFFFFFFFF;
	p2 =	slt.u32 s8, $0xFFFFF086  }
0x1c: {  	p1 =	slt.u32 s9, $0xF7A;
	s5 =	simm.s32 @!p2 $0x0  }
0x1d: {  	s5 =	simm.s32 @p1 $0x1;
	p0 =	seq.s32 s7, s2  }
0x1e: {  	s7 =	smul.u32 @!p0 $0xF7A, s2;
	p2 =	seq.s32 @!p0 s5, $0x0  }
0x1f: {  	s9 =	smul.u32 $0xF7A, s1;
	s8 =	simm.s32 @!p0 $0x1BF5;
	p2 =	por !p2, p0  }
0x20: {  	[sflag:s8] =	ssyncset.s32 @!p0 $0xFFFFF086;
	s6 =	sadd.s32 @!p0 s3, s7;
	s7 =	simm.s32 @!p0 $0x108  }
0x21: {  	s3 =	sadd.s32 s3, s9;
	s6 =	sadd.s32 @!p0 $0x88, s6;
	s7 =	simm.s32 @p2 $0x1082  }
0x22: {  	[simem:s7], [sflag:s8] =	dma.local @!p0 [hbm:s6], $0xF7A  }
0x23: {  	s9 =	sor.u32 $0xD0000000, s2;
	s6 =	simm.s32 $0x108;
	_ =	swait.ge @!p0 [sflag:s8], $0x0  }
0x24: {  	s3 =	sadd.s32 $0x88, s3;
	s6 =	simm.s32 @!p1 $0x1082;
	[sflag:s4] =	ssyncset.s32 $0xFFFFF086  }
0x25: {  	[simem:s6], [sflag:s4] =	dma.local [hbm:s3], $0xF7A  }
0x26: {  	[smem:$0x3F9F] =	sst s1;
	(tag) =	ssettag s2;
	_ =	strace s9  }
0x27: {  	s1 =	sld [smem:$0x3FAF]  }
0x28: {  	s2 =	sld [smem:$0x3FB0]  }
0x29: {  	s4 =	sld [smem:$0x3FB2]  }
0x2a: {  	p0 =	seq.s32 s5, $0x0;
	s5 =	sld [smem:$0x3FB3]  }
0x2b: {  	s6 =	sld [smem:$0x3FB4]  }
0x2c: {  	s7 =	sld [smem:$0x3FB5]  }
0x2d: {  	s3 =	simm.s32 $0x108;
	s8 =	sld [smem:$0x3FB6]  }
0x2e: {  	s3 =	simm.s32 @!p0 $0x1082;
	s9 =	sld [smem:$0x3FB7]  }
0x2f: {  	lr =	sadd.s32 s0, s3;
	s0 =	sld [smem:$0x3FAE]  }
0x30: {  	s3 =	sld [smem:$0x3FB1]  }
0x31: {  	[smem:$0x3FBA] =	sst s10  }
0x32: {  	s10 =	sld [smem:$0x3FB8];
	_ =	sdelay $0x3  }
0x33: {  	p0 =	seq.s32 s10, $0x1;
	s10 =	sld [smem:$0x3FBA];
	_ =	sdelay $0x3  }
0x34: {  	[smem:$0x3FBA] =	sst s10  }
0x35: {  	s10 =	sld [smem:$0x3FB9];
	_ =	sdelay $0x3  }
0x36: {  	p1 =	seq.s32 s10, $0x1;
	s10 =	sld [smem:$0x3FBA];
	_ =	sdelay $0x3  }
0x37: {  	[smem:$0x3FBA] =	sst s10  }
0x38: {  	s10 =	sld [smem:$0x3FBB]  }
0x39: {  	_ = 	snop;
	(pc) =	sbr.ind lr, $3  }
0x3a: {  	_ = 	snop  }
0x3b: {  	_ = 	snop  }
0x3c: {  	p2 =	seq.s32 s10, $0x1;
	s10 =	sld [smem:$0x3FBA]  }
0x3d: {  	_ =	shalt  }
0x3e: {  	_ =	shalt  }
0x3f: {  	_ =	shalt  }
0x40: {  	_ =	shalt  }
0x41: {  	_ =	shalt  }
0x42: {  	_ =	shalt  }
0x43: {  	_ =	shalt  }
0x44: {  	_ =	shalt  }
0x45: {  	_ =	shalt  }
0x46: {  	_ =	shalt  }
0x47: {  	_ =	shalt  }
0x48: {  	_ =	shalt  }
0x49: {  	_ =	shalt  }
0x4a: {  	_ =	shalt  }
0x4b: {  	_ =	shalt  }
0x4c: {  	_ =	shalt  }
0x4d: {  	_ =	shalt  }
0x4e: {  	_ =	shalt  }
0x4f: {  	_ =	shalt  }
0x50: {  	_ =	shalt  }
0x51: {  	_ =	shalt  }
0x52: {  	_ =	shalt  }
0x53: {  	_ =	shalt  }
0x54: {  	_ =	shalt  }
0x55: {  	_ =	shalt  }
0x56: {  	_ =	shalt  }
0x57: {  	_ =	shalt  }
0x58: {  	_ =	shalt  }
0x59: {  	_ =	shalt  }
0x5a: {  	_ =	shalt  }
0x5b: {  	_ =	shalt  }
0x5c: {  	_ =	shalt  }
0x5d: {  	_ =	shalt  }
0x5e: {  	_ =	shalt  }
0x5f: {  	_ =	shalt  }
0x60: {  	_ =	shalt  }
0x61: {  	_ =	shalt  }
0x62: {  	_ =	shalt  }
0x63: {  	_ =	shalt  }
0x64: {  	_ =	shalt  }
0x65: {  	_ =	shalt  }
0x66: {  	_ =	shalt  }
0x67: {  	_ =	shalt  }
0x68: {  	_ =	shalt  }
0x69: {  	_ =	shalt  }
0x6a: {  	_ =	shalt  }
0x6b: {  	_ =	shalt  }
0x6c: {  	_ =	shalt  }
0x6d: {  	_ =	shalt  }
0x6e: {  	_ =	shalt  }
0x6f: {  	_ =	shalt  }
0x70: {  	_ =	shalt  }
0x71: {  	_ =	shalt  }
0x72: {  	_ =	shalt  }
0x73: {  	_ =	shalt  }
0x74: {  	_ =	shalt  }
0x75: {  	_ =	shalt  }
0x76: {  	_ =	shalt  }
0x77: {  	_ =	shalt  }
0x78: {  	_ =	shalt  }
0x79: {  	_ =	shalt  }
0x7a: {  	_ =	shalt  }
0x7b: {  	_ =	shalt  }
0x7c: {  	_ =	shalt  }
0x7d: {  	_ =	shalt  }
0x7e: {  	_ =	shalt  }
0x7f: {  	_ =	shalt  }
0x80: {  	_ =	shalt  }
0x81: {  	_ =	shalt  }
0x82: {  	_ =	shalt  }
0x83: {  	_ =	shalt  }
0x84: {  	_ =	shalt  }
0x85: {  	_ =	shalt  }
0x86: {  	_ =	shalt  }
0x87: {  	_ =	shalt  }
.Lfunc_end0:
.L_simem_size_0:
called_computation_lowered:
.L_overlay_start_0:
0x88: {  	s2 =	sld [smem:$0x3FD9]  }
0x89: {  	s3 =	sld [smem:$0x3FFE];
	_ =	sdelay $0x1  }
0x8a: {  	s1 =	srdreg.scid  }
0x8b: {  	s0 =	sand.u32 $0x1, s1  }
0x8c: {  	s16 =	sshll.u32 s0, $0xA;
	s2 =	sadd.s32 s3, s2  }
0x8d: {  	s2 =	sadd.s32 s2, s16  }
0x8e: {  	[smem:$0x3FC6] =	sst s2  }
0x8f: {  	_ = 	snop  }
0x90: {  	(tm) =	ssettm $0x1  }
0x91: {  	s17 =	sld [smem:$0x3FFB];
	_ =	sdelay $0x3  }
0x92: {  	_ =	strace s17  }
0x93: {  	s2 =	sld [smem:$0x3FFC];
	_ =	sdelay $0x3  }
0x94: {  	_ =	strace s2  }
0x95: {  	s2 =	sld [smem:$0x3FFD];
	_ =	sdelay $0x3  }
0x96: {  	_ =	strace s2  }
0x97: {  	_ =	strace $0x8FFFFFFF  }
0x98: {  	s18 =	sld [smem:$0x3FDB];
	_ =	sdelay $0x1  }
0x99: {  	s19 =	simm.s32 $_scs_section_size  }
0x9a: {  	s4 =	simm.s32 $_size__tile_overlayer_lowered;
	s5 =	simm.s32 $_tile_overlayer_lowered  }
0x9b: {  	s22 =	simm.s32 $0x1BFF;
	s21 =	sshll.u32 s5, $0x1;
	s2 =	sadd.s32 s19, s18  }
0x9c: {  	s6 =	simm.s32 $0x0;
	s20 =	sshll.u32 s4, $0x1;
	s4 =	sadd.s32 s21, s2  }
0x9d: {  	[timem:s6], [sflag:s22] =	dma.local [hbm:s4], s20  }
0x9e: {  	_ =	swait.ge [sflag:s22], s20  }
0x9f: {  	s3 =	ssub.s32 $0x0, s20;
	[sflag:s22] =	ssyncset.done $0x0  }
0xa0: {  	[sflag:s22] =	ssyncadd.s32 s3;
	_ =	sdelay $0x1  }
0xa1: {  	s23 =	simm.s32 $0x1B8B  }
0xa2: {  	_ =	swait.ge [sflag:s23], $0x1  }
0xa3: {  	[sflag:s23] =	ssyncset.done $0x0  }
0xa4: {  	s25 =	simm.s32 $0x1B8E;
	s24 =	sld [smem:$0x3FFE];
	[sflag:s23] =	ssyncadd.s32 $0xFFFFFFFF  }
0xa5: {  	s26 =	simm.s32 $execute0_lowered;
	[smem:$0x3FD2] =	sst s25  }
0xa6: {  	s4 =	sshll.u32 s26, $0x1;
	_ =	strace $0x80000046;
	[dreg:$0x1] =	wrdreg $0xFFFFFFFF  }
0xa7: {  	s28 =	simm.s32 $_size_execute0_lowered;
	s2 =	sadd.s32 s2, s4;
	[dreg:$0x0] =	wrdreg $0x0  }
0xa8: {  	s4 =	sshll.u32 s28, $0x1;
	[dreg:$0x2] =	wrdreg s2  }
0xa9: {  	[dreg:$0x3] =	wrdreg s4  }
0xaa: {  	[dreg:$0x4] =	wrdreg $0xC0  }
0xab: {  	_ =	task [dreg:s6], $0x5FFFF  }
0xac: {  	[dreg:$0x1] =	wrdreg $0xFFFFFFFF  }
0xad: {  	[dreg:$0x0] =	wrdreg $0x60  }
0xae: {  	[dreg:$0x2] =	wrdreg s24  }
0xaf: {  	[dreg:$0x3] =	wrdreg $0x9  }
0xb0: {  	_ =	task.clear_ibuf [dreg:s6], $0x4FFFF;
	_ =	strace $0x90000046  }
0xb1: {  	s29 =	simm.s32 $0x9;
	_ =	strace $0x80000048  }
0xb2: {  	_ =	swait.ge [sflag:s29], $0x1  }
0xb3: {  	[sflag:s29] =	ssyncadd.s32 $0xFFFFFFFF  }
0xb4: {  	_ =	strace $0x90000048  }
0xb5: {  	_ =	sfence  }
0xb6: {  	s30 =	sld [smem:$0x0];
	_ =	sdelay $0x2  }
0xb7: {  	s31 =	sshll.u32 s1, $0xD;
	s1 =	sshrl.u32 s1, $0x2  }
0xb8: {  	s3 =	sand.u32 $0x4000, s31;
	s1 =	sadd.s32 s1, s30  }
0xb9: {  	s0 =	sor.u32 s3, s0;
	s1 =	sshll.u32 s1, $0x11  }
0xba: {  	s0 =	sor.u32 s1, s0  }
0xbb: {  	s0 =	sadd.s32 $0x8F2B, s0  }
0xbc: {  	[sflag:s0] =	ssyncadd.remote.s32 $0x1  }
0xbd: {  	_ =	sfence.sel $0xFFFF  }
0xbe: {  	[dreg:$0x0] =	wrdreg $0xFFFFFFFF;
	(pc) =	sbr.abs _section_cstart, $3  }
0xbf: {  	[dreg:$0x1] =	wrdreg $0xFFFFFFFF  }
0xc0: {  	_ =	task.clear_ibuf [dreg:s6], $0x2FFFF;
	_ =	strace $0x9FFFFFFF  }
0xc1: {  	(tm) =	ssettm $0x7FFFFFFF  }
tec
execute0_lowered:
.L_overlay_start_1:
0x0: {  	(tag) =	ssettag $0x1  }
0x1: {  	s4 =	rddreg [dreg:$0x0];
	s2 =	simm.s32 $0x0  }
0x2: {  	s13 =	simm.s32 $0x1080;
	[smem:$0x7FF] =	sst s2  }
0x3: {  	s14 =	simm.s32 $0x100;
	_ =	strace $0x80000047;
	[dreg:$0x4] =	wrdreg s13  }
0x4: {  	s15 =	simm.s32 $0x1100;
	[dreg:$0x5] =	wrdreg s14  }
0x5: {  	s16 =	simm.s32 $0x180;
	[dreg:$0x6] =	wrdreg s15  }
0x6: {  	s17 =	simm.s32 $0x1180;
	[dreg:$0x7] =	wrdreg s16  }
0x7: {  	s18 =	simm.s32 $0x200;
	[dreg:$0x8] =	wrdreg s17  }
0x8: {  	s19 =	simm.s32 $0x1200;
	[dreg:$0x9] =	wrdreg s18  }
0x9: {  	s20 =	simm.s32 $0x280;
	[dreg:$0xa] =	wrdreg s19  }
0xa: {  	s21 =	simm.s32 $0x1280;
	[dreg:$0xb] =	wrdreg s20  }
0xb: {  	s22 =	simm.s32 $0x300;
	[dreg:$0xc] =	wrdreg s21  }
0xc: {  	s23 =	simm.s32 $0x1300;
	[dreg:$0xd] =	wrdreg s22  }
0xd: {  	s24 =	simm.s32 $0x380;
	[dreg:$0xe] =	wrdreg s23  }
0xe: {  	s25 =	simm.s32 $0x1380;
	[dreg:$0xf] =	wrdreg s24  }
0xf: {  	s0 =	stileid.u32;
	s26 =	simm.s32 $0x400;
	[dreg:$0x10] =	wrdreg s25  }
0x10: {  	s3 =	sshll.u32 s0, $0xA;
	s0 =	simm.s32 $0x1400;
	[dreg:$0x11] =	wrdreg s26  }
0x11: {  	s6 =	simm.s32 $0x1480;
	[dreg:$0x12] =	wrdreg s0  }
0x12: {  	s7 =	simm.s32 $0x500;
	[dreg:$0x14] =	wrdreg s6  }
0x13: {  	s8 =	simm.s32 $0x1500;
	[dreg:$0x15] =	wrdreg s7  }
0x14: {  	s9 =	simm.s32 $0x580;
	[dreg:$0x16] =	wrdreg s8  }
0x15: {  	s10 =	simm.s32 $0x1580;
	[dreg:$0x17] =	wrdreg s9  }
0x16: {  	s11 =	simm.s32 $0x600;
	[dreg:$0x18] =	wrdreg s10  }
0x17: {  	[dreg:$0x19] =	wrdreg s11;
	s13 =	simm.s32 $0x680  }
0x18: {  	s14 =	simm.s32 $0x1680;
	[dreg:$0x1b] =	wrdreg s13  }
0x19: {  	s15 =	simm.s32 $0x700;
	[dreg:$0x1c] =	wrdreg s14  }
0x1a: {  	s16 =	simm.s32 $0x1700;
	[dreg:$0x1d] =	wrdreg s15  }
0x1b: {  	s17 =	simm.s32 $0x780;
	[dreg:$0x1e] =	wrdreg s16  }
0x1c: {  	s18 =	simm.s32 $0x1780;
	[dreg:$0x1f] =	wrdreg s17  }
0x1d: {  	s19 =	simm.s32 $0x800;
	[smem:$0x7F4] =	sst s18  }
0x1e: {  	s20 =	simm.s32 $0x1800;
	[smem:$0x7F6] =	sst s19  }
0x1f: {  	s21 =	simm.s32 $0x880;
	[smem:$0x7F8] =	sst s20  }
0x20: {  	s22 =	simm.s32 $0x1880;
	[smem:$0x7F9] =	sst s21  }
0x21: {  	s23 =	simm.s32 $0x900;
	[smem:$0x7F5] =	sst s22  }
0x22: {  	s1 =	srdreg.scid;
	s24 =	simm.s32 $0x1900;
	[smem:$0x7FA] =	sst s23  }
0x23: {  	s1 =	sand.u32 $0x1, s1;
	s25 =	simm.s32 $0x980;
	[smem:$0x7F7] =	sst s24  }
0x24: {  	s5 =	sshll.u32 s1, $0x9;
	s26 =	simm.s32 $0x1980;
	[smem:$0x7FB] =	sst s25  }
0x25: {  	s6 =	simm.s32 $0xA00;
	s3 =	sor.u32 s5, s3;
	[smem:$0x7FC] =	sst s26  }
0x26: {  	s5 =	simm.s32 $0x480;
	[smem:$0x7FD] =	sst s6;
	s3 =	sadd.s32 s3, s4  }
0x27: {  	[dreg:$0x13] =	wrdreg s5;
	s12 =	sadd.s32 $0x30E200, s3  }
0x28: {  	s3 =	sadd.s32 $0x312200, s3;
	[dreg:$0x2] =	wrdreg s12  }
0x29: {  	[dreg:$0x3] =	wrdreg s3;
	s12 =	simm.s32 $0x1600  }
0x2a: {  	[dreg:$0x1a] =	wrdreg s12  }
0x2b: {  	s3 =	simm.s32 $0x2;
	s5 =	rddreg [dreg:$0x2]  }
0x2c: {  	[tilespmem:s2], [sflag:$0x2] =	stream.linear.gather [hbm4b:s5+s2], $0x1000, $0x38;
	[tilespmem:$0x2000] =	vst v63  }
0x2d: {  	_ =	swait.ge [sflag:s3], $0x1000  }
0x2e: {  	s7 =	rddreg [dreg:$0x7]  }
0x2f: {  	s8 =	rddreg [dreg:$0xa]  }
0x30: {  	s9 =	rddreg [dreg:$0xc]  }
0x31: {  	s6 =	simm.s32 $0x80;
	s10 =	rddreg [dreg:$0x5]  }
0x32: {  	s5 =	sadd.s32 $0x187800, s4;
	[sflag:s3] =	ssyncset.done $0x0;
	s11 =	rddreg [dreg:$0x4]  }
0x33: {  	s4 =	simm.s32 $0x1000;
	s12 =	rddreg [dreg:$0x6];
	[sflag:s3] =	ssyncadd.s32 $0xFFFFF000  }
0x34: {  	[tilespmem:s4], [sflag:$0x1] =	stream.indirect.gather [hbm4b:s5+s6], $0x1, s2, s6, $0xb8;
	[tilespmem:$0x2000] =	vst v63  }
0x35: {  	s13 =	rddreg [dreg:$0x8]  }
0x36: {  	[tilespmem:s11], [sflag:$0x1] =	stream.indirect.gather [hbm4b:s5+s6], $0x1, s6, s6, $0xb8;
	[tilespmem:$0x2000] =	vst v63  }
0x37: {  	s14 =	rddreg [dreg:$0x9]  }
0x38: {  	[tilespmem:s12], [sflag:$0x1] =	stream.indirect.gather [hbm4b:s5+s6], $0x1, s10, s6, $0xb8;
	[tilespmem:$0x2000] =	vst v63  }
0x39: {  	s0 =	rddreg [dreg:$0xb]  }
0x3a: {  	[tilespmem:s13], [sflag:$0x1] =	stream.indirect.gather [hbm4b:s5+s6], $0x1, s7, s6, $0xb8;
	[tilespmem:$0x2000] =	vst v63  }
0x3b: {  	s15 =	rddreg [dreg:$0xe]  }
0x3c: {  	[tilespmem:s8], [sflag:$0x1] =	stream.indirect.gather [hbm4b:s5+s6], $0x1, s14, s6, $0xb8;
	[tilespmem:$0x2000] =	vst v63  }
0x3d: {  	s16 =	rddreg [dreg:$0xd]  }
0x3e: {  	[tilespmem:s9], [sflag:$0x1] =	stream.indirect.gather [hbm4b:s5+s6], $0x1, s0, s6, $0xb8;
	[tilespmem:$0x2000] =	vst v63  }
0x3f: {  	s17 =	rddreg [dreg:$0xf]  }
0x40: {  	[tilespmem:s15], [sflag:$0x1] =	stream.indirect.gather [hbm4b:s5+s6], $0x1, s16, s6, $0xb8;
	[tilespmem:$0x2000] =	vst v63  }
0x41: {  	s18 =	rddreg [dreg:$0x10];
	s7 =	simm.s32 $0x1  }
0x42: {  	[tilespmem:s18], [sflag:$0x1] =	stream.indirect.gather [hbm4b:s5+s6], $0x1, s17, s6, $0xb8;
	[tilespmem:$0x2000] =	vst v63  }
0x43: {  	_ =	swait.ge [sflag:s7], $0x80  }
0x44: {  	[sflag:s7] =	ssyncset.done $0x0  }
0x45: {  	[sflag:s7] =	ssyncadd.s32 $0xFFFFFF80  }
0x46: {  	_ =	swait.ge [sflag:s7], $0x80  }
0x47: {  	[sflag:s7] =	ssyncset.done $0x0  }
0x48: {  	[sflag:s7] =	ssyncadd.s32 $0xFFFFFF80  }
0x49: {  	_ =	swait.ge [sflag:s7], $0x80  }
0x4a: {  	[sflag:s7] =	ssyncset.done $0x0  }
0x4b: {  	[sflag:s7] =	ssyncadd.s32 $0xFFFFFF80  }
0x4c: {  	_ =	swait.ge [sflag:s7], $0x80  }
0x4d: {  	[sflag:s7] =	ssyncset.done $0x0  }
0x4e: {  	[sflag:s7] =	ssyncadd.s32 $0xFFFFFF80  }
0x4f: {  	_ =	swait.ge [sflag:s7], $0x80  }
0x50: {  	[sflag:s7] =	ssyncset.done $0x0  }
0x51: {  	[sflag:s7] =	ssyncadd.s32 $0xFFFFFF80  }
0x52: {  	_ =	swait.ge [sflag:s7], $0x80  }
0x53: {  	[sflag:s7] =	ssyncset.done $0x0  }
0x54: {  	[sflag:s7] =	ssyncadd.s32 $0xFFFFFF80  }
0x55: {  	_ =	swait.ge [sflag:s7], $0x80  }
0x56: {  	[sflag:s7] =	ssyncset.done $0x0  }
0x57: {  	[sflag:s7] =	ssyncadd.s32 $0xFFFFFF80  }
0x58: {  	_ =	swait.ge [sflag:s7], $0x80  }
0x59: {  	s19 =	rddreg [dreg:$0x15]  }
0x5a: {  	s20 =	rddreg [dreg:$0x1e]  }
0x5b: {  	s21 =	rddreg [dreg:$0x1a]  }
0x5c: {  	s22 =	rddreg [dreg:$0x11]  }
0x5d: {  	s23 =	rddreg [dreg:$0x13]  }
0x5e: {  	s24 =	rddreg [dreg:$0x16]  }
0x5f: {  	s25 =	rddreg [dreg:$0x12]  }
0x60: {  	s15 =	rddreg [dreg:$0x18];
	[sflag:s7] =	ssyncset.done $0x0  }
0x61: {  	s16 =	rddreg [dreg:$0x14];
	[sflag:s7] =	ssyncadd.s32 $0xFFFFFF80  }
0x62: {  	[tilespmem:s25], [sflag:$0x1] =	stream.indirect.gather [hbm4b:s5+s6], $0x1, s22, s6, $0xb8;
	[tilespmem:$0x2000] =	vst v63  }
0x63: {  	s17 =	rddreg [dreg:$0x17]  }
0x64: {  	[tilespmem:s16], [sflag:$0x1] =	stream.indirect.gather [hbm4b:s5+s6], $0x1, s23, s6, $0xb8;
	[tilespmem:$0x2000] =	vst v63  }
0x65: {  	s26 =	rddreg [dreg:$0x19]  }
0x66: {  	[tilespmem:s24], [sflag:$0x1] =	stream.indirect.gather [hbm4b:s5+s6], $0x1, s19, s6, $0xb8;
	[tilespmem:$0x2000] =	vst v63  }
0x67: {  	s0 =	rddreg [dreg:$0x1c]  }
0x68: {  	[tilespmem:s15], [sflag:$0x1] =	stream.indirect.gather [hbm4b:s5+s6], $0x1, s17, s6, $0xb8;
	[tilespmem:$0x2000] =	vst v63  }
0x69: {  	s13 =	rddreg [dreg:$0x1b]  }
0x6a: {  	[tilespmem:s21], [sflag:$0x1] =	stream.indirect.gather [hbm4b:s5+s6], $0x1, s26, s6, $0xb8;
	[tilespmem:$0x2000] =	vst v63  }
0x6b: {  	s14 =	rddreg [dreg:$0x1d]  }
0x6c: {  	[tilespmem:s0], [sflag:$0x1] =	stream.indirect.gather [hbm4b:s5+s6], $0x1, s13, s6, $0xb8;
	[tilespmem:$0x2000] =	vst v63  }
0x6d: {  	s15 =	sld [smem:$0x7F4]  }
0x6e: {  	[tilespmem:s20], [sflag:$0x1] =	stream.indirect.gather [hbm4b:s5+s6], $0x1, s14, s6, $0xb8;
	[tilespmem:$0x2000] =	vst v63  }
0x6f: {  	s16 =	rddreg [dreg:$0x1f]  }
0x70: {  	[tilespmem:s15], [sflag:$0x1] =	stream.indirect.gather [hbm4b:s5+s6], $0x1, s16, s6, $0xb8;
	[tilespmem:$0x2000] =	vst v63  }
0x71: {  	_ =	swait.ge [sflag:s7], $0x80  }
0x72: {  	[sflag:s7] =	ssyncset.done $0x0  }
0x73: {  	[sflag:s7] =	ssyncadd.s32 $0xFFFFFF80  }
0x74: {  	_ =	swait.ge [sflag:s7], $0x80  }
0x75: {  	[sflag:s7] =	ssyncset.done $0x0  }
0x76: {  	[sflag:s7] =	ssyncadd.s32 $0xFFFFFF80  }
0x77: {  	_ =	swait.ge [sflag:s7], $0x80  }
0x78: {  	[sflag:s7] =	ssyncset.done $0x0  }
0x79: {  	[sflag:s7] =	ssyncadd.s32 $0xFFFFFF80  }
0x7a: {  	_ =	swait.ge [sflag:s7], $0x80  }
0x7b: {  	[sflag:s7] =	ssyncset.done $0x0  }
0x7c: {  	[sflag:s7] =	ssyncadd.s32 $0xFFFFFF80  }
0x7d: {  	_ =	swait.ge [sflag:s7], $0x80  }
0x7e: {  	[sflag:s7] =	ssyncset.done $0x0  }
0x7f: {  	[sflag:s7] =	ssyncadd.s32 $0xFFFFFF80  }
0x80: {  	_ =	swait.ge [sflag:s7], $0x80  }
0x81: {  	[sflag:s7] =	ssyncset.done $0x0  }
0x82: {  	[sflag:s7] =	ssyncadd.s32 $0xFFFFFF80  }
0x83: {  	_ =	swait.ge [sflag:s7], $0x80  }
0x84: {  	[sflag:s7] =	ssyncset.done $0x0  }
0x85: {  	[sflag:s7] =	ssyncadd.s32 $0xFFFFFF80  }
0x86: {  	_ =	swait.ge [sflag:s7], $0x80  }
0x87: {  	s17 =	sld [smem:$0x7F5]  }
0x88: {  	s18 =	sld [smem:$0x7F6]  }
0x89: {  	s19 =	sld [smem:$0x7F7]  }
0x8a: {  	s20 =	sld [smem:$0x7F8]  }
0x8b: {  	[sflag:s7] =	ssyncset.done $0x0;
	s21 =	sld [smem:$0x7F9]  }
0x8c: {  	s22 =	sld [smem:$0x7FA];
	[sflag:s7] =	ssyncadd.s32 $0xFFFFFF80  }
0x8d: {  	[tilespmem:s20], [sflag:$0x1] =	stream.indirect.gather [hbm4b:s5+s6], $0x1, s18, s6, $0xb8;
	[tilespmem:$0x2000] =	vst v63  }
0x8e: {  	s23 =	sld [smem:$0x7FB]  }
0x8f: {  	[tilespmem:s17], [sflag:$0x1] =	stream.indirect.gather [hbm4b:s5+s6], $0x1, s21, s6, $0xb8;
	[tilespmem:$0x2000] =	vst v63  }
0x90: {  	s24 =	sld [smem:$0x7FC]  }
0x91: {  	[tilespmem:s19], [sflag:$0x1] =	stream.indirect.gather [hbm4b:s5+s6], $0x1, s22, s6, $0xb8;
	[tilespmem:$0x2000] =	vst v63  }
0x92: {  	s25 =	sld [smem:$0x7FD]  }
0x93: {  	[tilespmem:s24], [sflag:$0x1] =	stream.indirect.gather [hbm4b:s5+s6], $0x1, s23, s6, $0xb8;
	[tilespmem:$0x2000] =	vst v63  }
0x94: {  	s26 =	simm.s32 $0x1A00  }
0x95: {  	[tilespmem:s26], [sflag:$0x1] =	stream.indirect.gather [hbm4b:s5+s6], $0x1, s25, s6, $0xb8;
	[tilespmem:$0x2000] =	vst v63  }
0x96: {  	s8 =	simm.s32 $0xA80;
	s9 =	simm.s32 $0x1A80  }
0x97: {  	[tilespmem:s9], [sflag:$0x1] =	stream.indirect.gather [hbm4b:s5+s6], $0x1, s8, s6, $0xb8;
	[tilespmem:$0x2000] =	vst v63  }
0x98: {  	s11 =	simm.s32 $0x1B00;
	s10 =	simm.s32 $0xB00  }
0x99: {  	[tilespmem:s11], [sflag:$0x1] =	stream.indirect.gather [hbm4b:s5+s6], $0x1, s10, s6, $0xb8;
	[tilespmem:$0x2000] =	vst v63  }
0x9a: {  	s12 =	simm.s32 $0xB80;
	s13 =	simm.s32 $0x1B80  }
0x9b: {  	[tilespmem:s13], [sflag:$0x1] =	stream.indirect.gather [hbm4b:s5+s6], $0x1, s12, s6, $0xb8;
	[tilespmem:$0x2000] =	vst v63  }
0x9c: {  	_ =	swait.ge [sflag:s7], $0x80  }
0x9d: {  	[sflag:s7] =	ssyncset.done $0x0  }
0x9e: {  	[sflag:s7] =	ssyncadd.s32 $0xFFFFFF80  }
0x9f: {  	_ =	swait.ge [sflag:s7], $0x80  }
0xa0: {  	[sflag:s7] =	ssyncset.done $0x0  }
0xa1: {  	[sflag:s7] =	ssyncadd.s32 $0xFFFFFF80  }
0xa2: {  	_ =	swait.ge [sflag:s7], $0x80  }
0xa3: {  	[sflag:s7] =	ssyncset.done $0x0  }
0xa4: {  	[sflag:s7] =	ssyncadd.s32 $0xFFFFFF80  }
0xa5: {  	_ =	swait.ge [sflag:s7], $0x80  }
0xa6: {  	[sflag:s7] =	ssyncset.done $0x0  }
0xa7: {  	[sflag:s7] =	ssyncadd.s32 $0xFFFFFF80  }
0xa8: {  	_ =	swait.ge [sflag:s7], $0x80  }
0xa9: {  	[sflag:s7] =	ssyncset.done $0x0  }
0xaa: {  	[sflag:s7] =	ssyncadd.s32 $0xFFFFFF80  }
0xab: {  	_ =	swait.ge [sflag:s7], $0x80  }
0xac: {  	[sflag:s7] =	ssyncset.done $0x0  }
0xad: {  	[sflag:s7] =	ssyncadd.s32 $0xFFFFFF80  }
0xae: {  	_ =	swait.ge [sflag:s7], $0x80  }
0xaf: {  	[sflag:s7] =	ssyncset.done $0x0  }
0xb0: {  	[sflag:s7] =	ssyncadd.s32 $0xFFFFFF80  }
0xb1: {  	_ =	swait.ge [sflag:s7], $0x80  }
0xb2: {  	[sflag:s7] =	ssyncset.done $0x0  }
0xb3: {  	s14 =	simm.s32 $0xC00;
	s15 =	simm.s32 $0x1C00;
	[sflag:s7] =	ssyncadd.s32 $0xFFFFFF80  }
0xb4: {  	[tilespmem:s15], [sflag:$0x1] =	stream.indirect.gather [hbm4b:s5+s6], $0x1, s14, s6, $0xb8;
	[tilespmem:$0x2000] =	vst v63  }
0xb5: {  	s18 =	simm.s32 $0x1C80;
	s17 =	simm.s32 $0xC80  }
0xb6: {  	[tilespmem:s18], [sflag:$0x1] =	stream.indirect.gather [hbm4b:s5+s6], $0x1, s17, s6, $0xb8;
	[tilespmem:$0x2000] =	vst v63  }
0xb7: {  	s20 =	simm.s32 $0x1D00;
	s19 =	simm.s32 $0xD00  }
0xb8: {  	[tilespmem:s20], [sflag:$0x1] =	stream.indirect.gather [hbm4b:s5+s6], $0x1, s19, s6, $0xb8;
	[tilespmem:$0x2000] =	vst v63  }
0xb9: {  	s21 =	simm.s32 $0xD80;
	s22 =	simm.s32 $0x1D80  }
0xba: {  	[tilespmem:s22], [sflag:$0x1] =	stream.indirect.gather [hbm4b:s5+s6], $0x1, s21, s6, $0xb8;
	[tilespmem:$0x2000] =	vst v63  }
0xbb: {  	s23 =	simm.s32 $0xE00;
	s24 =	simm.s32 $0x1E00  }
0xbc: {  	[tilespmem:s24], [sflag:$0x1] =	stream.indirect.gather [hbm4b:s5+s6], $0x1, s23, s6, $0xb8;
	[tilespmem:$0x2000] =	vst v63  }
0xbd: {  	s25 =	simm.s32 $0xE80;
	s26 =	simm.s32 $0x1E80  }
0xbe: {  	[tilespmem:s26], [sflag:$0x1] =	stream.indirect.gather [hbm4b:s5+s6], $0x1, s25, s6, $0xb8;
	[tilespmem:$0x2000] =	vst v63  }
0xbf: {  	s28 =	simm.s32 $0xF00;
	s29 =	simm.s32 $0x1F00  }
0xc0: {  	[tilespmem:s29], [sflag:$0x1] =	stream.indirect.gather [hbm4b:s5+s6], $0x1, s28, s6, $0xb8;
	[tilespmem:$0x2000] =	vst v63  }
0xc1: {  	s30 =	simm.s32 $0xF80;
	s31 =	simm.s32 $0x1F80  }
0xc2: {  	[tilespmem:s31], [sflag:$0x1] =	stream.indirect.gather [hbm4b:s5+s6], $0x1, s30, s6, $0xb8;
	[tilespmem:$0x2000] =	vst v63  }
0xc3: {  	_ =	swait.ge [sflag:s7], $0x80  }
0xc4: {  	[sflag:s7] =	ssyncset.done $0x0  }
0xc5: {  	s1 =	ssub.s32 $0x2, s1;
	[sflag:s7] =	ssyncadd.s32 $0xFFFFFF80  }
0xc6: {  	s16 =	sshrl.u32 s1, $0x1;
	_ =	swait.ge [sflag:s7], $0x80  }
0xc7: {  	s0 =	ssub.s32 s1, s16;
	[sflag:s7] =	ssyncset.done $0x0  }
0xc8: {  	s0 =	smax.u32 s0, $0x1;
	[sflag:s7] =	ssyncadd.s32 $0xFFFFFF80  }
0xc9: {  	p0 =	sne.s32 s0, $0x1;
	_ =	swait.ge [sflag:s7], $0x80  }
.Ltmp0:
0xca: {  	[sflag:s7] =	ssyncset.done $0x0;
	(pc) =	sbr.rel @!p0 .LBB2_2-.Ltmp0, $4  }
0xcb: {  	[sflag:s7] =	ssyncadd.s32 $0xFFFFFF80  }
0xcc: {  	_ =	swait.ge [sflag:s7], $0x80  }
0xcd: {  	[sflag:s7] =	ssyncset.done $0x0  }
0xce: {  	s1 =	sadd.s32 $0xFFFFFFFF, s0;
	[sflag:s7] =	ssyncadd.s32 $0xFFFFFF80  }
.LBB2_1:
0xcf: {  	_ =	swait.ge [sflag:s7], $0x80  }
0xd0: {  	[sflag:s7] =	ssyncset.done $0x0  }
0xd1: {  	[sflag:s7] =	ssyncadd.s32 $0xFFFFFF80  }
0xd2: {  	_ =	swait.ge [sflag:s7], $0x80  }
0xd3: {  	[sflag:s7] =	ssyncset.done $0x0  }
0xd4: {  	[sflag:s7] =	ssyncadd.s32 $0xFFFFFF80  }
0xd5: {  	_ =	swait.ge [sflag:s7], $0x80  }
0xd6: {  	[sflag:s7] =	ssyncset.done $0x0  }
0xd7: {  	[sflag:s7] =	ssyncadd.s32 $0xFFFFFF80  }
0xd8: {  	_ =	swait.ge [sflag:s7], $0x80  }
0xd9: {  	[sflag:s7] =	ssyncset.done $0x0  }
0xda: {  	s0 =	rddreg [dreg:$0x3];
	[sflag:s7] =	ssyncadd.s32 $0xFFFFFF80  }
0xdb: {  	[hbm4b:s0+s2] =	stream.linear.scatter [tilespmem:s4], [sflag:$0x2], $0x1000, $0x38;
	[tilespmem:$0x2000] =	vst v63  }
0xdc: {  	_ =	swait.ge [sflag:s3], $0x1000  }
0xdd: {  	[sflag:s3] =	ssyncset.done $0x0  }
0xde: {  	s15 =	rddreg [dreg:$0x2];
	[sflag:s3] =	ssyncadd.s32 $0xFFFFF000  }
0xdf: {  	[tilespmem:s2], [sflag:$0x2] =	stream.linear.gather [hbm4b:s15+s2], $0x1000, $0x38;
	[tilespmem:$0x2000] =	vst v63  }
0xe0: {  	_ =	swait.ge [sflag:s3], $0x1000  }
0xe1: {  	s16 =	rddreg [dreg:$0x7]  }
0xe2: {  	s8 =	rddreg [dreg:$0xa]  }
0xe3: {  	s9 =	rddreg [dreg:$0xc]  }
0xe4: {  	s10 =	rddreg [dreg:$0x5]  }
0xe5: {  	[sflag:s3] =	ssyncset.done $0x0;
	s11 =	rddreg [dreg:$0x4]  }
0xe6: {  	s12 =	rddreg [dreg:$0x6];
	[sflag:s3] =	ssyncadd.s32 $0xFFFFF000  }
0xe7: {  	[tilespmem:s4], [sflag:$0x1] =	stream.indirect.gather [hbm4b:s5+s6], $0x1, s2, s6, $0xb8;
	[tilespmem:$0x2000] =	vst v63  }
0xe8: {  	s13 =	rddreg [dreg:$0x8]  }
0xe9: {  	[tilespmem:s11], [sflag:$0x1] =	stream.indirect.gather [hbm4b:s5+s6], $0x1, s6, s6, $0xb8;
	[tilespmem:$0x2000] =	vst v63  }
0xea: {  	s14 =	rddreg [dreg:$0x9]  }
0xeb: {  	[tilespmem:s12], [sflag:$0x1] =	stream.indirect.gather [hbm4b:s5+s6], $0x1, s10, s6, $0xb8;
	[tilespmem:$0x2000] =	vst v63  }
0xec: {  	s15 =	rddreg [dreg:$0xd]  }
0xed: {  	[tilespmem:s13], [sflag:$0x1] =	stream.indirect.gather [hbm4b:s5+s6], $0x1, s16, s6, $0xb8;
	[tilespmem:$0x2000] =	vst v63  }
0xee: {  	s11 =	rddreg [dreg:$0xb]  }
0xef: {  	[tilespmem:s8], [sflag:$0x1] =	stream.indirect.gather [hbm4b:s5+s6], $0x1, s14, s6, $0xb8;
	[tilespmem:$0x2000] =	vst v63  }
0xf0: {  	s10 =	rddreg [dreg:$0xe]  }
0xf1: {  	[tilespmem:s9], [sflag:$0x1] =	stream.indirect.gather [hbm4b:s5+s6], $0x1, s11, s6, $0xb8;
	[tilespmem:$0x2000] =	vst v63  }
0xf2: {  	s12 =	rddreg [dreg:$0x10]  }
0xf3: {  	[tilespmem:s10], [sflag:$0x1] =	stream.indirect.gather [hbm4b:s5+s6], $0x1, s15, s6, $0xb8;
	[tilespmem:$0x2000] =	vst v63  }
0xf4: {  	s16 =	rddreg [dreg:$0xf]  }
0xf5: {  	[tilespmem:s12], [sflag:$0x1] =	stream.indirect.gather [hbm4b:s5+s6], $0x1, s16, s6, $0xb8;
	[tilespmem:$0x2000] =	vst v63  }
0xf6: {  	_ =	swait.ge [sflag:s7], $0x80  }
0xf7: {  	[sflag:s7] =	ssyncset.done $0x0  }
0xf8: {  	[sflag:s7] =	ssyncadd.s32 $0xFFFFFF80  }
0xf9: {  	_ =	swait.ge [sflag:s7], $0x80  }
0xfa: {  	[sflag:s7] =	ssyncset.done $0x0  }
0xfb: {  	[sflag:s7] =	ssyncadd.s32 $0xFFFFFF80  }
0xfc: {  	_ =	swait.ge [sflag:s7], $0x80  }
0xfd: {  	[sflag:s7] =	ssyncset.done $0x0  }
0xfe: {  	[sflag:s7] =	ssyncadd.s32 $0xFFFFFF80  }
0xff: {  	_ =	swait.ge [sflag:s7], $0x80  }
0x100: {  	[sflag:s7] =	ssyncset.done $0x0  }
0x101: {  	[sflag:s7] =	ssyncadd.s32 $0xFFFFFF80  }
0x102: {  	_ =	swait.ge [sflag:s7], $0x80  }
0x103: {  	[sflag:s7] =	ssyncset.done $0x0  }
0x104: {  	[sflag:s7] =	ssyncadd.s32 $0xFFFFFF80  }
0x105: {  	_ =	swait.ge [sflag:s7], $0x80  }
0x106: {  	[sflag:s7] =	ssyncset.done $0x0  }
0x107: {  	[sflag:s7] =	ssyncadd.s32 $0xFFFFFF80  }
0x108: {  	_ =	swait.ge [sflag:s7], $0x80  }
0x109: {  	[sflag:s7] =	ssyncset.done $0x0  }
0x10a: {  	[sflag:s7] =	ssyncadd.s32 $0xFFFFFF80  }
0x10b: {  	_ =	swait.ge [sflag:s7], $0x80  }
0x10c: {  	s0 =	rddreg [dreg:$0x15]  }
0x10d: {  	s8 =	rddreg [dreg:$0x1e]  }
0x10e: {  	s9 =	rddreg [dreg:$0x1a]  }
0x10f: {  	s10 =	rddreg [dreg:$0x11]  }
0x110: {  	s11 =	rddreg [dreg:$0x13]  }
0x111: {  	s12 =	rddreg [dreg:$0x16]  }
0x112: {  	s13 =	rddreg [dreg:$0x12]  }
0x113: {  	[sflag:s7] =	ssyncset.done $0x0;
	s14 =	rddreg [dreg:$0x18]  }
0x114: {  	s15 =	rddreg [dreg:$0x14];
	[sflag:s7] =	ssyncadd.s32 $0xFFFFFF80  }
0x115: {  	[tilespmem:s13], [sflag:$0x1] =	stream.indirect.gather [hbm4b:s5+s6], $0x1, s10, s6, $0xb8;
	[tilespmem:$0x2000] =	vst v63  }
0x116: {  	s16 =	rddreg [dreg:$0x17]  }
0x117: {  	[tilespmem:s15], [sflag:$0x1] =	stream.indirect.gather [hbm4b:s5+s6], $0x1, s11, s6, $0xb8;
	[tilespmem:$0x2000] =	vst v63  }
0x118: {  	s10 =	rddreg [dreg:$0x19]  }
0x119: {  	[tilespmem:s12], [sflag:$0x1] =	stream.indirect.gather [hbm4b:s5+s6], $0x1, s0, s6, $0xb8;
	[tilespmem:$0x2000] =	vst v63  }
0x11a: {  	s13 =	rddreg [dreg:$0x1b]  }
0x11b: {  	[tilespmem:s14], [sflag:$0x1] =	stream.indirect.gather [hbm4b:s5+s6], $0x1, s16, s6, $0xb8;
	[tilespmem:$0x2000] =	vst v63  }
0x11c: {  	s11 =	rddreg [dreg:$0x1c]  }
0x11d: {  	[tilespmem:s9], [sflag:$0x1] =	stream.indirect.gather [hbm4b:s5+s6], $0x1, s10, s6, $0xb8;
	[tilespmem:$0x2000] =	vst v63  }
0x11e: {  	s15 =	sld [smem:$0x7F4]  }
0x11f: {  	[tilespmem:s11], [sflag:$0x1] =	stream.indirect.gather [hbm4b:s5+s6], $0x1, s13, s6, $0xb8;
	[tilespmem:$0x2000] =	vst v63  }
0x120: {  	s14 =	rddreg [dreg:$0x1d]  }
0x121: {  	[tilespmem:s8], [sflag:$0x1] =	stream.indirect.gather [hbm4b:s5+s6], $0x1, s14, s6, $0xb8;
	[tilespmem:$0x2000] =	vst v63  }
0x122: {  	s16 =	rddreg [dreg:$0x1f]  }
0x123: {  	[tilespmem:s15], [sflag:$0x1] =	stream.indirect.gather [hbm4b:s5+s6], $0x1, s16, s6, $0xb8;
	[tilespmem:$0x2000] =	vst v63  }
0x124: {  	_ =	swait.ge [sflag:s7], $0x80  }
0x125: {  	[sflag:s7] =	ssyncset.done $0x0  }
0x126: {  	[sflag:s7] =	ssyncadd.s32 $0xFFFFFF80  }
0x127: {  	_ =	swait.ge [sflag:s7], $0x80  }
0x128: {  	[sflag:s7] =	ssyncset.done $0x0  }
0x129: {  	[sflag:s7] =	ssyncadd.s32 $0xFFFFFF80  }
0x12a: {  	_ =	swait.ge [sflag:s7], $0x80  }
0x12b: {  	[sflag:s7] =	ssyncset.done $0x0  }
0x12c: {  	[sflag:s7] =	ssyncadd.s32 $0xFFFFFF80  }
0x12d: {  	_ =	swait.ge [sflag:s7], $0x80  }
0x12e: {  	[sflag:s7] =	ssyncset.done $0x0  }
0x12f: {  	[sflag:s7] =	ssyncadd.s32 $0xFFFFFF80  }
0x130: {  	_ =	swait.ge [sflag:s7], $0x80  }
0x131: {  	[sflag:s7] =	ssyncset.done $0x0  }
0x132: {  	[sflag:s7] =	ssyncadd.s32 $0xFFFFFF80  }
0x133: {  	_ =	swait.ge [sflag:s7], $0x80  }
0x134: {  	[sflag:s7] =	ssyncset.done $0x0  }
0x135: {  	[sflag:s7] =	ssyncadd.s32 $0xFFFFFF80  }
0x136: {  	_ =	swait.ge [sflag:s7], $0x80  }
0x137: {  	[sflag:s7] =	ssyncset.done $0x0  }
0x138: {  	[sflag:s7] =	ssyncadd.s32 $0xFFFFFF80  }
0x139: {  	_ =	swait.ge [sflag:s7], $0x80  }
0x13a: {  	s9 =	sld [smem:$0x7F5]  }
0x13b: {  	s15 =	sld [smem:$0x7F6]  }
0x13c: {  	s16 =	sld [smem:$0x7F7]  }
0x13d: {  	s11 =	sld [smem:$0x7F8]  }
0x13e: {  	[sflag:s7] =	ssyncset.done $0x0;
	s12 =	sld [smem:$0x7F9]  }
0x13f: {  	s13 =	sld [smem:$0x7FA];
	[sflag:s7] =	ssyncadd.s32 $0xFFFFFF80  }
0x140: {  	[tilespmem:s11], [sflag:$0x1] =	stream.indirect.gather [hbm4b:s5+s6], $0x1, s15, s6, $0xb8;
	[tilespmem:$0x2000] =	vst v63  }
0x141: {  	s14 =	sld [smem:$0x7FB]  }
0x142: {  	[tilespmem:s9], [sflag:$0x1] =	stream.indirect.gather [hbm4b:s5+s6], $0x1, s12, s6, $0xb8;
	[tilespmem:$0x2000] =	vst v63  }
0x143: {  	s15 =	sld [smem:$0x7FC]  }
0x144: {  	[tilespmem:s16], [sflag:$0x1] =	stream.indirect.gather [hbm4b:s5+s6], $0x1, s13, s6, $0xb8;
	[tilespmem:$0x2000] =	vst v63  }
0x145: {  	s16 =	sld [smem:$0x7FD]  }
0x146: {  	[tilespmem:s15], [sflag:$0x1] =	stream.indirect.gather [hbm4b:s5+s6], $0x1, s14, s6, $0xb8;
	[tilespmem:$0x2000] =	vst v63  }
0x147: {  	s8 =	simm.s32 $0x1A00  }
0x148: {  	[tilespmem:s8], [sflag:$0x1] =	stream.indirect.gather [hbm4b:s5+s6], $0x1, s16, s6, $0xb8;
	[tilespmem:$0x2000] =	vst v63  }
0x149: {  	s10 =	simm.s32 $0x1A80;
	s9 =	simm.s32 $0xA80  }
0x14a: {  	[tilespmem:s10], [sflag:$0x1] =	stream.indirect.gather [hbm4b:s5+s6], $0x1, s9, s6, $0xb8;
	[tilespmem:$0x2000] =	vst v63  }
0x14b: {  	s11 =	simm.s32 $0xB00;
	s12 =	simm.s32 $0x1B00  }
0x14c: {  	[tilespmem:s12], [sflag:$0x1] =	stream.indirect.gather [hbm4b:s5+s6], $0x1, s11, s6, $0xb8;
	[tilespmem:$0x2000] =	vst v63  }
0x14d: {  	s13 =	simm.s32 $0xB80;
	s14 =	simm.s32 $0x1B80  }
0x14e: {  	[tilespmem:s14], [sflag:$0x1] =	stream.indirect.gather [hbm4b:s5+s6], $0x1, s13, s6, $0xb8;
	[tilespmem:$0x2000] =	vst v63  }
0x14f: {  	_ =	swait.ge [sflag:s7], $0x80  }
0x150: {  	[sflag:s7] =	ssyncset.done $0x0  }
0x151: {  	[sflag:s7] =	ssyncadd.s32 $0xFFFFFF80  }
0x152: {  	_ =	swait.ge [sflag:s7], $0x80  }
0x153: {  	[sflag:s7] =	ssyncset.done $0x0  }
0x154: {  	[sflag:s7] =	ssyncadd.s32 $0xFFFFFF80  }
0x155: {  	_ =	swait.ge [sflag:s7], $0x80  }
0x156: {  	[sflag:s7] =	ssyncset.done $0x0  }
0x157: {  	[sflag:s7] =	ssyncadd.s32 $0xFFFFFF80  }
0x158: {  	_ =	swait.ge [sflag:s7], $0x80  }
0x159: {  	[sflag:s7] =	ssyncset.done $0x0  }
0x15a: {  	[sflag:s7] =	ssyncadd.s32 $0xFFFFFF80  }
0x15b: {  	_ =	swait.ge [sflag:s7], $0x80  }
0x15c: {  	[sflag:s7] =	ssyncset.done $0x0  }
0x15d: {  	[sflag:s7] =	ssyncadd.s32 $0xFFFFFF80  }
0x15e: {  	_ =	swait.ge [sflag:s7], $0x80  }
0x15f: {  	[sflag:s7] =	ssyncset.done $0x0  }
0x160: {  	[sflag:s7] =	ssyncadd.s32 $0xFFFFFF80  }
0x161: {  	_ =	swait.ge [sflag:s7], $0x80  }
0x162: {  	[sflag:s7] =	ssyncset.done $0x0  }
0x163: {  	[sflag:s7] =	ssyncadd.s32 $0xFFFFFF80  }
0x164: {  	_ =	swait.ge [sflag:s7], $0x80  }
0x165: {  	[sflag:s7] =	ssyncset.done $0x0  }
0x166: {  	s15 =	simm.s32 $0xC00;
	s16 =	simm.s32 $0x1C00;
	[sflag:s7] =	ssyncadd.s32 $0xFFFFFF80  }
0x167: {  	[tilespmem:s16], [sflag:$0x1] =	stream.indirect.gather [hbm4b:s5+s6], $0x1, s15, s6, $0xb8;
	[tilespmem:$0x2000] =	vst v63  }
0x168: {  	_ = 	snop  }
0x169: {  	[tilespmem:s18], [sflag:$0x1] =	stream.indirect.gather [hbm4b:s5+s6], $0x1, s17, s6, $0xb8;
	[tilespmem:$0x2000] =	vst v63  }
0x16a: {  	_ = 	snop  }
0x16b: {  	[tilespmem:s20], [sflag:$0x1] =	stream.indirect.gather [hbm4b:s5+s6], $0x1, s19, s6, $0xb8;
	[tilespmem:$0x2000] =	vst v63  }
0x16c: {  	_ = 	snop  }
0x16d: {  	[tilespmem:s22], [sflag:$0x1] =	stream.indirect.gather [hbm4b:s5+s6], $0x1, s21, s6, $0xb8;
	[tilespmem:$0x2000] =	vst v63  }
0x16e: {  	_ = 	snop  }
0x16f: {  	[tilespmem:s24], [sflag:$0x1] =	stream.indirect.gather [hbm4b:s5+s6], $0x1, s23, s6, $0xb8;
	[tilespmem:$0x2000] =	vst v63  }
0x170: {  	_ = 	snop  }
0x171: {  	[tilespmem:s26], [sflag:$0x1] =	stream.indirect.gather [hbm4b:s5+s6], $0x1, s25, s6, $0xb8;
	[tilespmem:$0x2000] =	vst v63  }
0x172: {  	_ = 	snop  }
0x173: {  	[tilespmem:s29], [sflag:$0x1] =	stream.indirect.gather [hbm4b:s5+s6], $0x1, s28, s6, $0xb8;
	[tilespmem:$0x2000] =	vst v63  }
0x174: {  	_ = 	snop  }
0x175: {  	[tilespmem:s31], [sflag:$0x1] =	stream.indirect.gather [hbm4b:s5+s6], $0x1, s30, s6, $0xb8;
	[tilespmem:$0x2000] =	vst v63  }
0x176: {  	_ =	swait.ge [sflag:s7], $0x80  }
0x177: {  	[sflag:s7] =	ssyncset.done $0x0  }
0x178: {  	[sflag:s7] =	ssyncadd.s32 $0xFFFFFF80  }
0x179: {  	_ =	swait.ge [sflag:s7], $0x80  }
0x17a: {  	[sflag:s7] =	ssyncset.done $0x0  }
0x17b: {  	[sflag:s7] =	ssyncadd.s32 $0xFFFFFF80  }
0x17c: {  	p0 =	sne.s32 s1, $0x1;
	_ =	swait.ge [sflag:s7], $0x80  }
.Ltmp1:
0x17d: {  	[sflag:s7] =	ssyncset.done $0x0;
	(pc) =	sbr.rel @p0 .LBB2_1-.Ltmp1, $4  }
0x17e: {  	[sflag:s7] =	ssyncadd.s32 $0xFFFFFF80  }
0x17f: {  	_ =	swait.ge [sflag:s7], $0x80  }
0x180: {  	[sflag:s7] =	ssyncset.done $0x0  }
0x181: {  	s1 =	sadd.s32 $0xFFFFFFFF, s1;
	[sflag:s7] =	ssyncadd.s32 $0xFFFFFF80  }
.LBB2_2:
0x182: {  	_ =	swait.ge [sflag:s7], $0x80  }
0x183: {  	[sflag:s7] =	ssyncset.done $0x0  }
0x184: {  	[sflag:s7] =	ssyncadd.s32 $0xFFFFFF80  }
0x185: {  	_ =	swait.ge [sflag:s7], $0x80  }
0x186: {  	[sflag:s7] =	ssyncset.done $0x0  }
0x187: {  	[sflag:s7] =	ssyncadd.s32 $0xFFFFFF80  }
0x188: {  	_ =	swait.ge [sflag:s7], $0x80  }
0x189: {  	[sflag:s7] =	ssyncset.done $0x0  }
0x18a: {  	[sflag:s7] =	ssyncadd.s32 $0xFFFFFF80  }
0x18b: {  	_ =	swait.ge [sflag:s7], $0x80  }
0x18c: {  	[sflag:s7] =	ssyncset.done $0x0  }
0x18d: {  	s0 =	rddreg [dreg:$0x3];
	[sflag:s7] =	ssyncadd.s32 $0xFFFFFF80  }
0x18e: {  	[hbm4b:s0+s2] =	stream.linear.scatter [tilespmem:s4], [sflag:$0x2], $0x1000, $0x38;
	[tilespmem:$0x2000] =	vst v63  }
0x18f: {  	_ =	swait.ge [sflag:s3], $0x1000  }
0x190: {  	[sflag:s3] =	ssyncset.done $0x0  }
0x191: {  	[sflag:s3] =	ssyncadd.s32 $0xFFFFF000  }
0x192: {  	_ =	sfence.sel $0x180000  }
0x193: {  	[bflag:$0x0] =	sbarrier.arrive $0xFFFF  }
0x194: {  	_ =	strace $0x90000047  }
0x195: {  	s31 =	stileid.u32;
	[bflag:$0x2] =	sbarrier.arrive $0xFFFF  }
0x196: {  	p0 =	sne.s32 s31, $0x0;
	s0 =	rddreg [dreg:$0x1]  }
0x197: {  	s0 =	sadd.s32 @!p0 $0x100000, s0  }
0x198: {  	[sflag:s0] =	ssyncadd.tile.s32 @!p0 $0x1;
	_ =	shalt  }
.Lfunc_end2:
_tile_overlayer_lowered:
.L_overlay_start_2:
0x199: {  	(tag) =	ssettag $0x2  }
0x19a: {  	s0 =	rddreg [dreg:$0x0];
	s2 =	stileid.u32  }
0x19b: {  	s1 =	rddreg [dreg:$0x1];
	p0 =	sne.s32 s2, $0x0  }
0x19c: {  	s3 =	rddreg [dreg:$0x2];
	[bflag:$0x3] =	sbarrier.arrive $0xFFFF;
	s2 =	simm.s32 @!p0 $0x1C02  }
0x19d: {  	[timem:s3], [sflag:s2] =	dma.local @!p0 [hbm:s0], s1  }
0x19e: {  	s0 =	simm.s32 @!p0 $0x2  }
0x19f: {  	_ =	swait.ge @!p0 [sflag:s0], s1  }
0x1a0: {  	s1 =	ssub.s32 @!p0 $0x0, s1;
	[sflag:s0] =	ssyncset.done @!p0 $0x0  }
0x1a1: {  	[sflag:s0] =	ssyncadd.s32 @!p0 s1  }
0x1a2: {  	[bflag:$0x3] =	sbarrier.arrive $0xFFFF  }
0x1a3: {  	_ =	shalt  }

</sc_bundles>
